<compile_context>
chip_gen: v7x
topology: tpu7x:2x2x1
jax: 0.10.2.dev20260603
libtpu: 0.0.44.dev20260713+nightly
codegen_flags: <defaults>
</compile_context>

<pallas_src>
import functools

import jax
import jax.numpy as jnp
from jax import lax
from jax.experimental import pallas as pl
from jax.experimental.pallas import tpu as pltpu
from jax.experimental.pallas import tpu_sc as plsc


@functools.lru_cache(maxsize=None)
def _build_pos_kernel(d, em, h, w):
    info = plsc.get_sparse_core_info()
    NC, NS, L = info.num_cores, info.num_subcores, info.num_lanes
    NW = NC * NS
    f2 = 2 * em
    NG = NW // 2
    YPG = h // NG
    DPW = d // 2
    assert h % NG == 0 and d % 2 == 0 and em % L == 0
    mesh = plsc.VectorSubcoreMesh(core_axis_name="c", subcore_axis_name="s")

    @functools.partial(
        pl.kernel,
        mesh=mesh,
        compiler_params=pltpu.CompilerParams(needs_layout_passes=False),
        out_type=jax.ShapeDtypeStruct((d, h, w, f2), jnp.float32),
        scratch_types=[
            pltpu.VMEM((w, em), jnp.float32),
            pltpu.VMEM((h, em), jnp.float32),
            pltpu.VMEM((YPG, w, f2), jnp.float32),
            pltpu.SemaphoreType.DMA,
        ],
    )
    def pos_kernel(col_hbm, row_hbm, out_hbm, col_v, row_v, stripe_v, sem):
        wid = lax.axis_index("s") * NC + lax.axis_index("c")
        g = wid // 2
        half = wid % 2
        pltpu.sync_copy(col_hbm.at[pl.ds(0, w)], col_v)
        pltpu.sync_copy(row_hbm.at[pl.ds(0, h)], row_v)

        rvs = [[row_v[g * YPG + yy, pl.ds(k * L, L)] for k in range(em // L)]
               for yy in range(YPG)]

        def xbody(x, carry):
            for k in range(em // L):
                v = col_v[x, pl.ds(k * L, L)]
                for yy in range(YPG):
                    stripe_v[yy, x, pl.ds(k * L, L)] = v
            for yy in range(YPG):
                for k in range(em // L):
                    stripe_v[yy, x, pl.ds(em + k * L, L)] = rvs[yy][k]
            return carry

        lax.fori_loop(0, w, xbody, 0)

        y0 = g * YPG
        handles = [
            pltpu.async_copy(
                stripe_v,
                out_hbm.at[half * DPW + dd, pl.ds(y0, YPG)],
                sem)
            for dd in range(DPW)
        ]
        for hd in handles:
            hd.wait()

    return pos_kernel


def kernel(scan, row_embed, col_embed, dep_embed):
    d, em, h, w = scan.shape
    out = _build_pos_kernel(d, em, h, w)(col_embed, row_embed)
    return out.transpose(0, 3, 1, 2)

# --- scband reference (transcript-rebuilt; emitter-appended) ---
"""Pipeline reference for scband-position-embedding-learned-79087527788632 (READ-ONLY COPY).

The authoritative reference and input builder live on the scoring server;
editing this copy changes nothing except your own understanding.
"""

import jax, jax.numpy as jnp
import numpy as np


def setup_inputs(seed: int = 0) -> dict:
    key = jax.random.key(seed)
    k1, k2, k3, k4 = jax.random.split(key, 4)
    scan = jax.random.normal(k1, (32, 256, 48, 48), dtype=jnp.float32)
    # learned embedding tables, uniform init as in reset_parameters()
    row_embed = jax.random.uniform(k2, (50, 256), dtype=jnp.float32)
    col_embed = jax.random.uniform(k3, (50, 256), dtype=jnp.float32)
    dep_embed = jax.random.uniform(k4, (50, 256), dtype=jnp.float32)
    return {"scan": scan, "row_embed": row_embed, "col_embed": col_embed, "dep_embed": dep_embed}


def reference(scan, row_embed, col_embed, dep_embed):
    d, em, h, w = scan.shape
    i = jnp.arange(w)
    j = jnp.arange(h)
    x_emb = jnp.take(col_embed, i, axis=0)  # [w, F]
    y_emb = jnp.take(row_embed, j, axis=0)  # [h, F]
    x_rep = jnp.tile(x_emb[None, :, :], (h, 1, 1))   # [h, w, F]
    y_rep = jnp.tile(y_emb[:, None, :], (1, w, 1))   # [h, w, F]
    pos = jnp.concatenate([x_rep, y_rep], axis=-1)   # [h, w, 2F]
    pos = jnp.transpose(pos, (2, 0, 1))              # [2F, h, w]
    pos = jnp.tile(pos[None], (d, 1, 1, 1))          # [d, 2F, h, w]
    return pos

if __name__ == "__main__":
    import jax
    _d = setup_inputs()
    print(jax.jit(kernel)(*tuple(_d.values())))

</pallas_src>

<mosaic_0001>
#map = affine_map<(d0, d1) -> (0, 0)>
#map1 = affine_map<(d0, d1) -> (0, 0, 0, 0)>
module attributes {stable_mosaic.version = 14 : i64} {
  func.func @pos_kernel(%arg0: i32, %arg1: i32, %arg2: memref<50x256xf32, #tpu.memory_space<hbm>>, %arg3: memref<50x256xf32, #tpu.memory_space<hbm>>, %arg4: memref<32x48x48x512xf32, #tpu.memory_space<hbm>>, %arg5: memref<48x256xf32, #tpu.memory_space<vmem>>, %arg6: memref<48x256xf32, #tpu.memory_space<vmem>>, %arg7: memref<3x48x512xf32, #tpu.memory_space<vmem>>, %arg8: memref<!tpu.dma_semaphore, #tpu.memory_space<semaphore_mem>>) attributes {dimension_semantics = [#tpu.dimension_semantics<core_parallel>, #tpu.dimension_semantics<subcore_parallel>], iteration_bounds = array<i64: 2, 16>, scalar_prefetch = 0 : i64, scratch_operands = 4 : i64, tpu.core_type = #tpu.core_type<sc_vector_subcore>, window_params = [{transform_indices = #map}, {transform_indices = #map}, {transform_indices = #map1}]} {
    %mul3A = arith.constant 2 : i32
    %mul3A_0 = arith.muli %arg1, %mul3A : i32
    %add3A = arith.addi %mul3A_0, %arg0 : i32
    %jit3A = arith.constant 2 : i32
    %div3A = arith.divsi %add3A, %jit3A : i32
    %sign3A = arith.constant 0 : i32
    %sign3A_1 = arith.cmpi sgt, %add3A, %sign3A : i32
    %sign3A_2 = arith.extui %sign3A_1 : i1 to i32
    %sign3A_3 = arith.constant 0 : i32
    %sign3A_4 = arith.cmpi slt, %add3A, %sign3A_3 : i32
    %sign3A_5 = arith.extui %sign3A_4 : i1 to i32
    %sign3A_6 = arith.subi %sign3A_2, %sign3A_5 : i32
    %sign3A_7 = arith.constant 0 : i32
    %sign3A_8 = arith.cmpi sgt, %jit3A, %sign3A_7 : i32
    %sign3A_9 = arith.extui %sign3A_8 : i1 to i32
    %sign3A_10 = arith.constant 0 : i32
    %sign3A_11 = arith.cmpi slt, %jit3A, %sign3A_10 : i32
    %sign3A_12 = arith.extui %sign3A_11 : i1 to i32
    %sign3A_13 = arith.subi %sign3A_9, %sign3A_12 : i32
    %ne3A = arith.cmpi ne, %sign3A_6, %sign3A_13 : i32
    %rem3A = arith.remsi %add3A, %jit3A : i32
    %ne3A_14 = arith.constant 0 : i32
    %ne3A_15 = arith.cmpi ne, %rem3A, %ne3A_14 : i32
    %and3A = arith.andi %ne3A, %ne3A_15 : i1
    %sub3A = arith.constant 1 : i32
    %sub3A_16 = arith.subi %div3A, %sub3A : i32
    %select_n3A = arith.select %and3A, %sub3A_16, %div3A : i32
    %jit3A_17 = arith.constant 2 : i32
    %eq3A = arith.constant 0 : i32
    %eq3A_18 = arith.cmpi eq, %jit3A_17, %eq3A : i32
    %jit3A_19 = arith.constant 1 : i32
    %select_n3A_20 = arith.select %eq3A_18, %jit3A_19, %jit3A_17 : i32
    %rem3A_21 = arith.remsi %add3A, %select_n3A_20 : i32
    %ne3A_22 = arith.constant 0 : i32
    %ne3A_23 = arith.cmpi ne, %rem3A_21, %ne3A_22 : i32
    %lt3A = arith.constant 0 : i32
    %lt3A_24 = arith.cmpi slt, %rem3A_21, %lt3A : i32
    %lt3A_25 = arith.constant 0 : i32
    %lt3A_26 = arith.cmpi slt, %select_n3A_20, %lt3A_25 : i32
    %ne3A_27 = arith.xori %lt3A_24, %lt3A_26 : i1
    %and3A_28 = arith.andi %ne3A_27, %ne3A_23 : i1
    %add3A_29 = arith.addi %rem3A_21, %select_n3A_20 : i32
    %select_n3A_30 = arith.select %and3A_28, %add3A_29, %rem3A_21 : i32
    "tpu.region"() ({
      %run_scoped3A = tpu.sem_alloc : memref<!tpu.dma_semaphore, #tpu.memory_space<semaphore_mem>>
      %dma_start3A_691 = arith.constant 0 : i32
      %dma_start3A_692 = arith.constant 0 : i32
      %dma_start3A_693 = tpu.memref_slice %arg2[%dma_start3A_691, %dma_start3A_692] : memref<50x256xf32, #tpu.memory_space<hbm>> -> memref<48x256xf32, #tpu.memory_space<hbm>>
      %dma_start3A_694 = arith.constant 0 : i32
      %dma_start3A_695 = arith.constant 0 : i32
      %dma_start3A_696 = tpu.memref_slice %arg2[%dma_start3A_694, %dma_start3A_695] : memref<50x256xf32, #tpu.memory_space<hbm>> -> memref<48x256xf32, #tpu.memory_space<hbm>>
      tpu.enqueue_dma source(%dma_start3A_696 : memref<48x256xf32, #tpu.memory_space<hbm>>) target(%arg5 : memref<48x256xf32, #tpu.memory_space<vmem>>) target_semaphore(%run_scoped3A : memref<!tpu.dma_semaphore, #tpu.memory_space<semaphore_mem>>)
      %dma_wait3A_697 = arith.constant 0 : i32
      %dma_wait3A_698 = arith.constant 0 : i32
      %dma_wait3A_699 = tpu.memref_slice %arg2[%dma_wait3A_697, %dma_wait3A_698] : memref<50x256xf32, #tpu.memory_space<hbm>> -> memref<48x256xf32, #tpu.memory_space<hbm>>
      %dma_wait3A_700 = arith.constant 0 : i32
      %dma_wait3A_701 = arith.constant 0 : i32
      %dma_wait3A_702 = tpu.memref_slice %arg2[%dma_wait3A_700, %dma_wait3A_701] : memref<50x256xf32, #tpu.memory_space<hbm>> -> memref<48x256xf32, #tpu.memory_space<hbm>>
      tpu.wait_dma2 semaphore(%run_scoped3A : memref<!tpu.dma_semaphore, #tpu.memory_space<semaphore_mem>>) src(%dma_wait3A_702 : memref<48x256xf32, #tpu.memory_space<hbm>>) dst(%arg5 : memref<48x256xf32, #tpu.memory_space<vmem>>)
      tpu.yield
    }) : () -> ()
    "tpu.region"() ({
      %run_scoped3A = tpu.sem_alloc : memref<!tpu.dma_semaphore, #tpu.memory_space<semaphore_mem>>
      %dma_start3A_691 = arith.constant 0 : i32
      %dma_start3A_692 = arith.constant 0 : i32
      %dma_start3A_693 = tpu.memref_slice %arg3[%dma_start3A_691, %dma_start3A_692] : memref<50x256xf32, #tpu.memory_space<hbm>> -> memref<48x256xf32, #tpu.memory_space<hbm>>
      %dma_start3A_694 = arith.constant 0 : i32
      %dma_start3A_695 = arith.constant 0 : i32
      %dma_start3A_696 = tpu.memref_slice %arg3[%dma_start3A_694, %dma_start3A_695] : memref<50x256xf32, #tpu.memory_space<hbm>> -> memref<48x256xf32, #tpu.memory_space<hbm>>
      tpu.enqueue_dma source(%dma_start3A_696 : memref<48x256xf32, #tpu.memory_space<hbm>>) target(%arg6 : memref<48x256xf32, #tpu.memory_space<vmem>>) target_semaphore(%run_scoped3A : memref<!tpu.dma_semaphore, #tpu.memory_space<semaphore_mem>>)
      %dma_wait3A_697 = arith.constant 0 : i32
      %dma_wait3A_698 = arith.constant 0 : i32
      %dma_wait3A_699 = tpu.memref_slice %arg3[%dma_wait3A_697, %dma_wait3A_698] : memref<50x256xf32, #tpu.memory_space<hbm>> -> memref<48x256xf32, #tpu.memory_space<hbm>>
      %dma_wait3A_700 = arith.constant 0 : i32
      %dma_wait3A_701 = arith.constant 0 : i32
      %dma_wait3A_702 = tpu.memref_slice %arg3[%dma_wait3A_700, %dma_wait3A_701] : memref<50x256xf32, #tpu.memory_space<hbm>> -> memref<48x256xf32, #tpu.memory_space<hbm>>
      tpu.wait_dma2 semaphore(%run_scoped3A : memref<!tpu.dma_semaphore, #tpu.memory_space<semaphore_mem>>) src(%dma_wait3A_702 : memref<48x256xf32, #tpu.memory_space<hbm>>) dst(%arg6 : memref<48x256xf32, #tpu.memory_space<vmem>>)
      tpu.yield
    }) : () -> ()
    %mul3A_31 = arith.constant 3 : i32
    %mul3A_32 = arith.muli %select_n3A, %mul3A_31 : i32
    %add3A_33 = arith.constant 0 : i32
    %add3A_34 = arith.addi %mul3A_32, %add3A_33 : i32
    %get3A = arith.index_cast %add3A_34 : i32 to index
    %get3A_35 = arith.constant 0 : index
    %get3A_36 = tpu.vector_load %arg6[%get3A, %get3A_35] {strides = array<i32>} : memref<48x256xf32, #tpu.memory_space<vmem>>, vector<16xf32>,
    %mul3A_37 = arith.constant 3 : i32
    %mul3A_38 = arith.muli %select_n3A, %mul3A_37 : i32
    %add3A_39 = arith.constant 0 : i32
    %add3A_40 = arith.addi %mul3A_38, %add3A_39 : i32
    %get3A_41 = arith.index_cast %add3A_40 : i32 to index
    %get3A_42 = arith.constant 16 : index
    %get3A_43 = tpu.vector_load %arg6[%get3A_41, %get3A_42] {strides = array<i32>} : memref<48x256xf32, #tpu.memory_space<vmem>>, vector<16xf32>,
    %mul3A_44 = arith.constant 3 : i32
    %mul3A_45 = arith.muli %select_n3A, %mul3A_44 : i32
    %add3A_46 = arith.constant 0 : i32
    %add3A_47 = arith.addi %mul3A_45, %add3A_46 : i32
    %get3A_48 = arith.index_cast %add3A_47 : i32 to index
    %get3A_49 = arith.constant 32 : index
    %get3A_50 = tpu.vector_load %arg6[%get3A_48, %get3A_49] {strides = array<i32>} : memref<48x256xf32, #tpu.memory_space<vmem>>, vector<16xf32>,
    %mul3A_51 = arith.constant 3 : i32
    %mul3A_52 = arith.muli %select_n3A, %mul3A_51 : i32
    %add3A_53 = arith.constant 0 : i32
    %add3A_54 = arith.addi %mul3A_52, %add3A_53 : i32
    %get3A_55 = arith.index_cast %add3A_54 : i32 to index
    %get3A_56 = arith.constant 48 : index
    %get3A_57 = tpu.vector_load %arg6[%get3A_55, %get3A_56] {strides = array<i32>} : memref<48x256xf32, #tpu.memory_space<vmem>>, vector<16xf32>,
    %mul3A_58 = arith.constant 3 : i32
    %mul3A_59 = arith.muli %select_n3A, %mul3A_58 : i32
    %add3A_60 = arith.constant 0 : i32
    %add3A_61 = arith.addi %mul3A_59, %add3A_60 : i32
    %get3A_62 = arith.index_cast %add3A_61 : i32 to index
    %get3A_63 = arith.constant 64 : index
    %get3A_64 = tpu.vector_load %arg6[%get3A_62, %get3A_63] {strides = array<i32>} : memref<48x256xf32, #tpu.memory_space<vmem>>, vector<16xf32>,
    %mul3A_65 = arith.constant 3 : i32
    %mul3A_66 = arith.muli %select_n3A, %mul3A_65 : i32
    %add3A_67 = arith.constant 0 : i32
    %add3A_68 = arith.addi %mul3A_66, %add3A_67 : i32
    %get3A_69 = arith.index_cast %add3A_68 : i32 to index
    %get3A_70 = arith.constant 80 : index
    %get3A_71 = tpu.vector_load %arg6[%get3A_69, %get3A_70] {strides = array<i32>} : memref<48x256xf32, #tpu.memory_space<vmem>>, vector<16xf32>,
    %mul3A_72 = arith.constant 3 : i32
    %mul3A_73 = arith.muli %select_n3A, %mul3A_72 : i32
    %add3A_74 = arith.constant 0 : i32
    %add3A_75 = arith.addi %mul3A_73, %add3A_74 : i32
    %get3A_76 = arith.index_cast %add3A_75 : i32 to index
    %get3A_77 = arith.constant 96 : index
    %get3A_78 = tpu.vector_load %arg6[%get3A_76, %get3A_77] {strides = array<i32>} : memref<48x256xf32, #tpu.memory_space<vmem>>, vector<16xf32>,
    %mul3A_79 = arith.constant 3 : i32
    %mul3A_80 = arith.muli %select_n3A, %mul3A_79 : i32
    %add3A_81 = arith.constant 0 : i32
    %add3A_82 = arith.addi %mul3A_80, %add3A_81 : i32
    %get3A_83 = arith.index_cast %add3A_82 : i32 to index
    %get3A_84 = arith.constant 112 : index
    %get3A_85 = tpu.vector_load %arg6[%get3A_83, %get3A_84] {strides = array<i32>} : memref<48x256xf32, #tpu.memory_space<vmem>>, vector<16xf32>,
    %mul3A_86 = arith.constant 3 : i32
    %mul3A_87 = arith.muli %select_n3A, %mul3A_86 : i32
    %add3A_88 = arith.constant 0 : i32
    %add3A_89 = arith.addi %mul3A_87, %add3A_88 : i32
    %get3A_90 = arith.index_cast %add3A_89 : i32 to index
    %get3A_91 = arith.constant 128 : index
    %get3A_92 = tpu.vector_load %arg6[%get3A_90, %get3A_91] {strides = array<i32>} : memref<48x256xf32, #tpu.memory_space<vmem>>, vector<16xf32>,
    %mul3A_93 = arith.constant 3 : i32
    %mul3A_94 = arith.muli %select_n3A, %mul3A_93 : i32
    %add3A_95 = arith.constant 0 : i32
    %add3A_96 = arith.addi %mul3A_94, %add3A_95 : i32
    %get3A_97 = arith.index_cast %add3A_96 : i32 to index
    %get3A_98 = arith.constant 144 : index
    %get3A_99 = tpu.vector_load %arg6[%get3A_97, %get3A_98] {strides = array<i32>} : memref<48x256xf32, #tpu.memory_space<vmem>>, vector<16xf32>,
    %mul3A_100 = arith.constant 3 : i32
    %mul3A_101 = arith.muli %select_n3A, %mul3A_100 : i32
    %add3A_102 = arith.constant 0 : i32
    %add3A_103 = arith.addi %mul3A_101, %add3A_102 : i32
    %get3A_104 = arith.index_cast %add3A_103 : i32 to index
    %get3A_105 = arith.constant 160 : index
    %get3A_106 = tpu.vector_load %arg6[%get3A_104, %get3A_105] {strides = array<i32>} : memref<48x256xf32, #tpu.memory_space<vmem>>, vector<16xf32>,
    %mul3A_107 = arith.constant 3 : i32
    %mul3A_108 = arith.muli %select_n3A, %mul3A_107 : i32
    %add3A_109 = arith.constant 0 : i32
    %add3A_110 = arith.addi %mul3A_108, %add3A_109 : i32
    %get3A_111 = arith.index_cast %add3A_110 : i32 to index
    %get3A_112 = arith.constant 176 : index
    %get3A_113 = tpu.vector_load %arg6[%get3A_111, %get3A_112] {strides = array<i32>} : memref<48x256xf32, #tpu.memory_space<vmem>>, vector<16xf32>,
    %mul3A_114 = arith.constant 3 : i32
    %mul3A_115 = arith.muli %select_n3A, %mul3A_114 : i32
    %add3A_116 = arith.constant 0 : i32
    %add3A_117 = arith.addi %mul3A_115, %add3A_116 : i32
    %get3A_118 = arith.index_cast %add3A_117 : i32 to index
    %get3A_119 = arith.constant 192 : index
    %get3A_120 = tpu.vector_load %arg6[%get3A_118, %get3A_119] {strides = array<i32>} : memref<48x256xf32, #tpu.memory_space<vmem>>, vector<16xf32>,
    %mul3A_121 = arith.constant 3 : i32
    %mul3A_122 = arith.muli %select_n3A, %mul3A_121 : i32
    %add3A_123 = arith.constant 0 : i32
    %add3A_124 = arith.addi %mul3A_122, %add3A_123 : i32
    %get3A_125 = arith.index_cast %add3A_124 : i32 to index
    %get3A_126 = arith.constant 208 : index
    %get3A_127 = tpu.vector_load %arg6[%get3A_125, %get3A_126] {strides = array<i32>} : memref<48x256xf32, #tpu.memory_space<vmem>>, vector<16xf32>,
    %mul3A_128 = arith.constant 3 : i32
    %mul3A_129 = arith.muli %select_n3A, %mul3A_128 : i32
    %add3A_130 = arith.constant 0 : i32
    %add3A_131 = arith.addi %mul3A_129, %add3A_130 : i32
    %get3A_132 = arith.index_cast %add3A_131 : i32 to index
    %get3A_133 = arith.constant 224 : index
    %get3A_134 = tpu.vector_load %arg6[%get3A_132, %get3A_133] {strides = array<i32>} : memref<48x256xf32, #tpu.memory_space<vmem>>, vector<16xf32>,
    %mul3A_135 = arith.constant 3 : i32
    %mul3A_136 = arith.muli %select_n3A, %mul3A_135 : i32
    %add3A_137 = arith.constant 0 : i32
    %add3A_138 = arith.addi %mul3A_136, %add3A_137 : i32
    %get3A_139 = arith.index_cast %add3A_138 : i32 to index
    %get3A_140 = arith.constant 240 : index
    %get3A_141 = tpu.vector_load %arg6[%get3A_139, %get3A_140] {strides = array<i32>} : memref<48x256xf32, #tpu.memory_space<vmem>>, vector<16xf32>,
    %mul3A_142 = arith.constant 3 : i32
    %mul3A_143 = arith.muli %select_n3A, %mul3A_142 : i32
    %add3A_144 = arith.constant 1 : i32
    %add3A_145 = arith.addi %mul3A_143, %add3A_144 : i32
    %get3A_146 = arith.index_cast %add3A_145 : i32 to index
    %get3A_147 = arith.constant 0 : index
    %get3A_148 = tpu.vector_load %arg6[%get3A_146, %get3A_147] {strides = array<i32>} : memref<48x256xf32, #tpu.memory_space<vmem>>, vector<16xf32>,
    %mul3A_149 = arith.constant 3 : i32
    %mul3A_150 = arith.muli %select_n3A, %mul3A_149 : i32
    %add3A_151 = arith.constant 1 : i32
    %add3A_152 = arith.addi %mul3A_150, %add3A_151 : i32
    %get3A_153 = arith.index_cast %add3A_152 : i32 to index
    %get3A_154 = arith.constant 16 : index
    %get3A_155 = tpu.vector_load %arg6[%get3A_153, %get3A_154] {strides = array<i32>} : memref<48x256xf32, #tpu.memory_space<vmem>>, vector<16xf32>,
    %mul3A_156 = arith.constant 3 : i32
    %mul3A_157 = arith.muli %select_n3A, %mul3A_156 : i32
    %add3A_158 = arith.constant 1 : i32
    %add3A_159 = arith.addi %mul3A_157, %add3A_158 : i32
    %get3A_160 = arith.index_cast %add3A_159 : i32 to index
    %get3A_161 = arith.constant 32 : index
    %get3A_162 = tpu.vector_load %arg6[%get3A_160, %get3A_161] {strides = array<i32>} : memref<48x256xf32, #tpu.memory_space<vmem>>, vector<16xf32>,
    %mul3A_163 = arith.constant 3 : i32
    %mul3A_164 = arith.muli %select_n3A, %mul3A_163 : i32
    %add3A_165 = arith.constant 1 : i32
    %add3A_166 = arith.addi %mul3A_164, %add3A_165 : i32
    %get3A_167 = arith.index_cast %add3A_166 : i32 to index
    %get3A_168 = arith.constant 48 : index
    %get3A_169 = tpu.vector_load %arg6[%get3A_167, %get3A_168] {strides = array<i32>} : memref<48x256xf32, #tpu.memory_space<vmem>>, vector<16xf32>,
    %mul3A_170 = arith.constant 3 : i32
    %mul3A_171 = arith.muli %select_n3A, %mul3A_170 : i32
    %add3A_172 = arith.constant 1 : i32
    %add3A_173 = arith.addi %mul3A_171, %add3A_172 : i32
    %get3A_174 = arith.index_cast %add3A_173 : i32 to index
    %get3A_175 = arith.constant 64 : index
    %get3A_176 = tpu.vector_load %arg6[%get3A_174, %get3A_175] {strides = array<i32>} : memref<48x256xf32, #tpu.memory_space<vmem>>, vector<16xf32>,
    %mul3A_177 = arith.constant 3 : i32
    %mul3A_178 = arith.muli %select_n3A, %mul3A_177 : i32
    %add3A_179 = arith.constant 1 : i32
    %add3A_180 = arith.addi %mul3A_178, %add3A_179 : i32
    %get3A_181 = arith.index_cast %add3A_180 : i32 to index
    %get3A_182 = arith.constant 80 : index
    %get3A_183 = tpu.vector_load %arg6[%get3A_181, %get3A_182] {strides = array<i32>} : memref<48x256xf32, #tpu.memory_space<vmem>>, vector<16xf32>,
    %mul3A_184 = arith.constant 3 : i32
    %mul3A_185 = arith.muli %select_n3A, %mul3A_184 : i32
    %add3A_186 = arith.constant 1 : i32
    %add3A_187 = arith.addi %mul3A_185, %add3A_186 : i32
    %get3A_188 = arith.index_cast %add3A_187 : i32 to index
    %get3A_189 = arith.constant 96 : index
    %get3A_190 = tpu.vector_load %arg6[%get3A_188, %get3A_189] {strides = array<i32>} : memref<48x256xf32, #tpu.memory_space<vmem>>, vector<16xf32>,
    %mul3A_191 = arith.constant 3 : i32
    %mul3A_192 = arith.muli %select_n3A, %mul3A_191 : i32
    %add3A_193 = arith.constant 1 : i32
    %add3A_194 = arith.addi %mul3A_192, %add3A_193 : i32
    %get3A_195 = arith.index_cast %add3A_194 : i32 to index
    %get3A_196 = arith.constant 112 : index
    %get3A_197 = tpu.vector_load %arg6[%get3A_195, %get3A_196] {strides = array<i32>} : memref<48x256xf32, #tpu.memory_space<vmem>>, vector<16xf32>,
    %mul3A_198 = arith.constant 3 : i32
    %mul3A_199 = arith.muli %select_n3A, %mul3A_198 : i32
    %add3A_200 = arith.constant 1 : i32
    %add3A_201 = arith.addi %mul3A_199, %add3A_200 : i32
    %get3A_202 = arith.index_cast %add3A_201 : i32 to index
    %get3A_203 = arith.constant 128 : index
    %get3A_204 = tpu.vector_load %arg6[%get3A_202, %get3A_203] {strides = array<i32>} : memref<48x256xf32, #tpu.memory_space<vmem>>, vector<16xf32>,
    %mul3A_205 = arith.constant 3 : i32
    %mul3A_206 = arith.muli %select_n3A, %mul3A_205 : i32
    %add3A_207 = arith.constant 1 : i32
    %add3A_208 = arith.addi %mul3A_206, %add3A_207 : i32
    %get3A_209 = arith.index_cast %add3A_208 : i32 to index
    %get3A_210 = arith.constant 144 : index
    %get3A_211 = tpu.vector_load %arg6[%get3A_209, %get3A_210] {strides = array<i32>} : memref<48x256xf32, #tpu.memory_space<vmem>>, vector<16xf32>,
    %mul3A_212 = arith.constant 3 : i32
    %mul3A_213 = arith.muli %select_n3A, %mul3A_212 : i32
    %add3A_214 = arith.constant 1 : i32
    %add3A_215 = arith.addi %mul3A_213, %add3A_214 : i32
    %get3A_216 = arith.index_cast %add3A_215 : i32 to index
    %get3A_217 = arith.constant 160 : index
    %get3A_218 = tpu.vector_load %arg6[%get3A_216, %get3A_217] {strides = array<i32>} : memref<48x256xf32, #tpu.memory_space<vmem>>, vector<16xf32>,
    %mul3A_219 = arith.constant 3 : i32
    %mul3A_220 = arith.muli %select_n3A, %mul3A_219 : i32
    %add3A_221 = arith.constant 1 : i32
    %add3A_222 = arith.addi %mul3A_220, %add3A_221 : i32
    %get3A_223 = arith.index_cast %add3A_222 : i32 to index
    %get3A_224 = arith.constant 176 : index
    %get3A_225 = tpu.vector_load %arg6[%get3A_223, %get3A_224] {strides = array<i32>} : memref<48x256xf32, #tpu.memory_space<vmem>>, vector<16xf32>,
    %mul3A_226 = arith.constant 3 : i32
    %mul3A_227 = arith.muli %select_n3A, %mul3A_226 : i32
    %add3A_228 = arith.constant 1 : i32
    %add3A_229 = arith.addi %mul3A_227, %add3A_228 : i32
    %get3A_230 = arith.index_cast %add3A_229 : i32 to index
    %get3A_231 = arith.constant 192 : index
    %get3A_232 = tpu.vector_load %arg6[%get3A_230, %get3A_231] {strides = array<i32>} : memref<48x256xf32, #tpu.memory_space<vmem>>, vector<16xf32>,
    %mul3A_233 = arith.constant 3 : i32
    %mul3A_234 = arith.muli %select_n3A, %mul3A_233 : i32
    %add3A_235 = arith.constant 1 : i32
    %add3A_236 = arith.addi %mul3A_234, %add3A_235 : i32
    %get3A_237 = arith.index_cast %add3A_236 : i32 to index
    %get3A_238 = arith.constant 208 : index
    %get3A_239 = tpu.vector_load %arg6[%get3A_237, %get3A_238] {strides = array<i32>} : memref<48x256xf32, #tpu.memory_space<vmem>>, vector<16xf32>,
    %mul3A_240 = arith.constant 3 : i32
    %mul3A_241 = arith.muli %select_n3A, %mul3A_240 : i32
    %add3A_242 = arith.constant 1 : i32
    %add3A_243 = arith.addi %mul3A_241, %add3A_242 : i32
    %get3A_244 = arith.index_cast %add3A_243 : i32 to index
    %get3A_245 = arith.constant 224 : index
    %get3A_246 = tpu.vector_load %arg6[%get3A_244, %get3A_245] {strides = array<i32>} : memref<48x256xf32, #tpu.memory_space<vmem>>, vector<16xf32>,
    %mul3A_247 = arith.constant 3 : i32
    %mul3A_248 = arith.muli %select_n3A, %mul3A_247 : i32
    %add3A_249 = arith.constant 1 : i32
    %add3A_250 = arith.addi %mul3A_248, %add3A_249 : i32
    %get3A_251 = arith.index_cast %add3A_250 : i32 to index
    %get3A_252 = arith.constant 240 : index
    %get3A_253 = tpu.vector_load %arg6[%get3A_251, %get3A_252] {strides = array<i32>} : memref<48x256xf32, #tpu.memory_space<vmem>>, vector<16xf32>,
    %mul3A_254 = arith.constant 3 : i32
    %mul3A_255 = arith.muli %select_n3A, %mul3A_254 : i32
    %add3A_256 = arith.constant 2 : i32
    %add3A_257 = arith.addi %mul3A_255, %add3A_256 : i32
    %get3A_258 = arith.index_cast %add3A_257 : i32 to index
    %get3A_259 = arith.constant 0 : index
    %get3A_260 = tpu.vector_load %arg6[%get3A_258, %get3A_259] {strides = array<i32>} : memref<48x256xf32, #tpu.memory_space<vmem>>, vector<16xf32>,
    %mul3A_261 = arith.constant 3 : i32
    %mul3A_262 = arith.muli %select_n3A, %mul3A_261 : i32
    %add3A_263 = arith.constant 2 : i32
    %add3A_264 = arith.addi %mul3A_262, %add3A_263 : i32
    %get3A_265 = arith.index_cast %add3A_264 : i32 to index
    %get3A_266 = arith.constant 16 : index
    %get3A_267 = tpu.vector_load %arg6[%get3A_265, %get3A_266] {strides = array<i32>} : memref<48x256xf32, #tpu.memory_space<vmem>>, vector<16xf32>,
    %mul3A_268 = arith.constant 3 : i32
    %mul3A_269 = arith.muli %select_n3A, %mul3A_268 : i32
    %add3A_270 = arith.constant 2 : i32
    %add3A_271 = arith.addi %mul3A_269, %add3A_270 : i32
    %get3A_272 = arith.index_cast %add3A_271 : i32 to index
    %get3A_273 = arith.constant 32 : index
    %get3A_274 = tpu.vector_load %arg6[%get3A_272, %get3A_273] {strides = array<i32>} : memref<48x256xf32, #tpu.memory_space<vmem>>, vector<16xf32>,
    %mul3A_275 = arith.constant 3 : i32
    %mul3A_276 = arith.muli %select_n3A, %mul3A_275 : i32
    %add3A_277 = arith.constant 2 : i32
    %add3A_278 = arith.addi %mul3A_276, %add3A_277 : i32
    %get3A_279 = arith.index_cast %add3A_278 : i32 to index
    %get3A_280 = arith.constant 48 : index
    %get3A_281 = tpu.vector_load %arg6[%get3A_279, %get3A_280] {strides = array<i32>} : memref<48x256xf32, #tpu.memory_space<vmem>>, vector<16xf32>,
    %mul3A_282 = arith.constant 3 : i32
    %mul3A_283 = arith.muli %select_n3A, %mul3A_282 : i32
    %add3A_284 = arith.constant 2 : i32
    %add3A_285 = arith.addi %mul3A_283, %add3A_284 : i32
    %get3A_286 = arith.index_cast %add3A_285 : i32 to index
    %get3A_287 = arith.constant 64 : index
    %get3A_288 = tpu.vector_load %arg6[%get3A_286, %get3A_287] {strides = array<i32>} : memref<48x256xf32, #tpu.memory_space<vmem>>, vector<16xf32>,
    %mul3A_289 = arith.constant 3 : i32
    %mul3A_290 = arith.muli %select_n3A, %mul3A_289 : i32
    %add3A_291 = arith.constant 2 : i32
    %add3A_292 = arith.addi %mul3A_290, %add3A_291 : i32
    %get3A_293 = arith.index_cast %add3A_292 : i32 to index
    %get3A_294 = arith.constant 80 : index
    %get3A_295 = tpu.vector_load %arg6[%get3A_293, %get3A_294] {strides = array<i32>} : memref<48x256xf32, #tpu.memory_space<vmem>>, vector<16xf32>,
    %mul3A_296 = arith.constant 3 : i32
    %mul3A_297 = arith.muli %select_n3A, %mul3A_296 : i32
    %add3A_298 = arith.constant 2 : i32
    %add3A_299 = arith.addi %mul3A_297, %add3A_298 : i32
    %get3A_300 = arith.index_cast %add3A_299 : i32 to index
    %get3A_301 = arith.constant 96 : index
    %get3A_302 = tpu.vector_load %arg6[%get3A_300, %get3A_301] {strides = array<i32>} : memref<48x256xf32, #tpu.memory_space<vmem>>, vector<16xf32>,
    %mul3A_303 = arith.constant 3 : i32
    %mul3A_304 = arith.muli %select_n3A, %mul3A_303 : i32
    %add3A_305 = arith.constant 2 : i32
    %add3A_306 = arith.addi %mul3A_304, %add3A_305 : i32
    %get3A_307 = arith.index_cast %add3A_306 : i32 to index
    %get3A_308 = arith.constant 112 : index
    %get3A_309 = tpu.vector_load %arg6[%get3A_307, %get3A_308] {strides = array<i32>} : memref<48x256xf32, #tpu.memory_space<vmem>>, vector<16xf32>,
    %mul3A_310 = arith.constant 3 : i32
    %mul3A_311 = arith.muli %select_n3A, %mul3A_310 : i32
    %add3A_312 = arith.constant 2 : i32
    %add3A_313 = arith.addi %mul3A_311, %add3A_312 : i32
    %get3A_314 = arith.index_cast %add3A_313 : i32 to index
    %get3A_315 = arith.constant 128 : index
    %get3A_316 = tpu.vector_load %arg6[%get3A_314, %get3A_315] {strides = array<i32>} : memref<48x256xf32, #tpu.memory_space<vmem>>, vector<16xf32>,
    %mul3A_317 = arith.constant 3 : i32
    %mul3A_318 = arith.muli %select_n3A, %mul3A_317 : i32
    %add3A_319 = arith.constant 2 : i32
    %add3A_320 = arith.addi %mul3A_318, %add3A_319 : i32
    %get3A_321 = arith.index_cast %add3A_320 : i32 to index
    %get3A_322 = arith.constant 144 : index
    %get3A_323 = tpu.vector_load %arg6[%get3A_321, %get3A_322] {strides = array<i32>} : memref<48x256xf32, #tpu.memory_space<vmem>>, vector<16xf32>,
    %mul3A_324 = arith.constant 3 : i32
    %mul3A_325 = arith.muli %select_n3A, %mul3A_324 : i32
    %add3A_326 = arith.constant 2 : i32
    %add3A_327 = arith.addi %mul3A_325, %add3A_326 : i32
    %get3A_328 = arith.index_cast %add3A_327 : i32 to index
    %get3A_329 = arith.constant 160 : index
    %get3A_330 = tpu.vector_load %arg6[%get3A_328, %get3A_329] {strides = array<i32>} : memref<48x256xf32, #tpu.memory_space<vmem>>, vector<16xf32>,
    %mul3A_331 = arith.constant 3 : i32
    %mul3A_332 = arith.muli %select_n3A, %mul3A_331 : i32
    %add3A_333 = arith.constant 2 : i32
    %add3A_334 = arith.addi %mul3A_332, %add3A_333 : i32
    %get3A_335 = arith.index_cast %add3A_334 : i32 to index
    %get3A_336 = arith.constant 176 : index
    %get3A_337 = tpu.vector_load %arg6[%get3A_335, %get3A_336] {strides = array<i32>} : memref<48x256xf32, #tpu.memory_space<vmem>>, vector<16xf32>,
    %mul3A_338 = arith.constant 3 : i32
    %mul3A_339 = arith.muli %select_n3A, %mul3A_338 : i32
    %add3A_340 = arith.constant 2 : i32
    %add3A_341 = arith.addi %mul3A_339, %add3A_340 : i32
    %get3A_342 = arith.index_cast %add3A_341 : i32 to index
    %get3A_343 = arith.constant 192 : index
    %get3A_344 = tpu.vector_load %arg6[%get3A_342, %get3A_343] {strides = array<i32>} : memref<48x256xf32, #tpu.memory_space<vmem>>, vector<16xf32>,
    %mul3A_345 = arith.constant 3 : i32
    %mul3A_346 = arith.muli %select_n3A, %mul3A_345 : i32
    %add3A_347 = arith.constant 2 : i32
    %add3A_348 = arith.addi %mul3A_346, %add3A_347 : i32
    %get3A_349 = arith.index_cast %add3A_348 : i32 to index
    %get3A_350 = arith.constant 208 : index
    %get3A_351 = tpu.vector_load %arg6[%get3A_349, %get3A_350] {strides = array<i32>} : memref<48x256xf32, #tpu.memory_space<vmem>>, vector<16xf32>,
    %mul3A_352 = arith.constant 3 : i32
    %mul3A_353 = arith.muli %select_n3A, %mul3A_352 : i32
    %add3A_354 = arith.constant 2 : i32
    %add3A_355 = arith.addi %mul3A_353, %add3A_354 : i32
    %get3A_356 = arith.index_cast %add3A_355 : i32 to index
    %get3A_357 = arith.constant 224 : index
    %get3A_358 = tpu.vector_load %arg6[%get3A_356, %get3A_357] {strides = array<i32>} : memref<48x256xf32, #tpu.memory_space<vmem>>, vector<16xf32>,
    %mul3A_359 = arith.constant 3 : i32
    %mul3A_360 = arith.muli %select_n3A, %mul3A_359 : i32
    %add3A_361 = arith.constant 2 : i32
    %add3A_362 = arith.addi %mul3A_360, %add3A_361 : i32
    %get3A_363 = arith.index_cast %add3A_362 : i32 to index
    %get3A_364 = arith.constant 240 : index
    %get3A_365 = tpu.vector_load %arg6[%get3A_363, %get3A_364] {strides = array<i32>} : memref<48x256xf32, #tpu.memory_space<vmem>>, vector<16xf32>,
    %scan3A = arith.constant 0 : i32
    %scan3A_366 = arith.constant 0 : i32
    %scan3A_367 = arith.constant 48 : i32
    %scan3A_368 = arith.addi %scan3A_366, %scan3A_367 : i32
    %scan3A_369 = arith.constant 1 : i32
    scf.for %scan3A_691 = %scan3A_366 to %scan3A_368 step %scan3A_369  : i32 {
      %get3A_692 = arith.index_cast %scan3A_691 : i32 to index
      %get3A_693 = arith.constant 0 : index
      %get3A_694 = tpu.vector_load %arg5[%get3A_692, %get3A_693] {strides = array<i32>} : memref<48x256xf32, #tpu.memory_space<vmem>>, vector<16xf32>,
      %swap3A = arith.constant 0 : i32
      %swap3A_695 = arith.index_cast %swap3A : i32 to index
      %swap3A_696 = arith.index_cast %scan3A_691 : i32 to index
      %swap3A_697 = arith.constant 0 : index
      %swap3A_698 = tpu.vector_load %arg7[%swap3A_695, %swap3A_696, %swap3A_697] {strides = array<i32>} : memref<3x48x512xf32, #tpu.memory_space<vmem>>, vector<16xf32>,
      tpu.vector_store %arg7[%swap3A_695, %swap3A_696, %swap3A_697], %get3A_694 {strides = array<i32>} : memref<3x48x512xf32, #tpu.memory_space<vmem>>, vector<16xf32>,
      %swap3A_699 = arith.constant 1 : i32
      %swap3A_700 = arith.index_cast %swap3A_699 : i32 to index
      %swap3A_701 = arith.index_cast %scan3A_691 : i32 to index
      %swap3A_702 = arith.constant 0 : index
      %swap3A_703 = tpu.vector_load %arg7[%swap3A_700, %swap3A_701, %swap3A_702] {strides = array<i32>} : memref<3x48x512xf32, #tpu.memory_space<vmem>>, vector<16xf32>,
      tpu.vector_store %arg7[%swap3A_700, %swap3A_701, %swap3A_702], %get3A_694 {strides = array<i32>} : memref<3x48x512xf32, #tpu.memory_space<vmem>>, vector<16xf32>,
      %swap3A_704 = arith.constant 2 : i32
      %swap3A_705 = arith.index_cast %swap3A_704 : i32 to index
      %swap3A_706 = arith.index_cast %scan3A_691 : i32 to index
      %swap3A_707 = arith.constant 0 : index
      %swap3A_708 = tpu.vector_load %arg7[%swap3A_705, %swap3A_706, %swap3A_707] {strides = array<i32>} : memref<3x48x512xf32, #tpu.memory_space<vmem>>, vector<16xf32>,
      tpu.vector_store %arg7[%swap3A_705, %swap3A_706, %swap3A_707], %get3A_694 {strides = array<i32>} : memref<3x48x512xf32, #tpu.memory_space<vmem>>, vector<16xf32>,
      %get3A_709 = arith.index_cast %scan3A_691 : i32 to index
      %get3A_710 = arith.constant 16 : index
      %get3A_711 = tpu.vector_load %arg5[%get3A_709, %get3A_710] {strides = array<i32>} : memref<48x256xf32, #tpu.memory_space<vmem>>, vector<16xf32>,
      %swap3A_712 = arith.constant 0 : i32
      %swap3A_713 = arith.index_cast %swap3A_712 : i32 to index
      %swap3A_714 = arith.index_cast %scan3A_691 : i32 to index
      %swap3A_715 = arith.constant 16 : index
      %swap3A_716 = tpu.vector_load %arg7[%swap3A_713, %swap3A_714, %swap3A_715] {strides = array<i32>} : memref<3x48x512xf32, #tpu.memory_space<vmem>>, vector<16xf32>,
      tpu.vector_store %arg7[%swap3A_713, %swap3A_714, %swap3A_715], %get3A_711 {strides = array<i32>} : memref<3x48x512xf32, #tpu.memory_space<vmem>>, vector<16xf32>,
      %swap3A_717 = arith.constant 1 : i32
      %swap3A_718 = arith.index_cast %swap3A_717 : i32 to index
      %swap3A_719 = arith.index_cast %scan3A_691 : i32 to index
      %swap3A_720 = arith.constant 16 : index
      %swap3A_721 = tpu.vector_load %arg7[%swap3A_718, %swap3A_719, %swap3A_720] {strides = array<i32>} : memref<3x48x512xf32, #tpu.memory_space<vmem>>, vector<16xf32>,
      tpu.vector_store %arg7[%swap3A_718, %swap3A_719, %swap3A_720], %get3A_711 {strides = array<i32>} : memref<3x48x512xf32, #tpu.memory_space<vmem>>, vector<16xf32>,
      %swap3A_722 = arith.constant 2 : i32
      %swap3A_723 = arith.index_cast %swap3A_722 : i32 to index
      %swap3A_724 = arith.index_cast %scan3A_691 : i32 to index
      %swap3A_725 = arith.constant 16 : index
      %swap3A_726 = tpu.vector_load %arg7[%swap3A_723, %swap3A_724, %swap3A_725] {strides = array<i32>} : memref<3x48x512xf32, #tpu.memory_space<vmem>>, vector<16xf32>,
      tpu.vector_store %arg7[%swap3A_723, %swap3A_724, %swap3A_725], %get3A_711 {strides = array<i32>} : memref<3x48x512xf32, #tpu.memory_space<vmem>>, vector<16xf32>,
      %get3A_727 = arith.index_cast %scan3A_691 : i32 to index
      %get3A_728 = arith.constant 32 : index
      %get3A_729 = tpu.vector_load %arg5[%get3A_727, %get3A_728] {strides = array<i32>} : memref<48x256xf32, #tpu.memory_space<vmem>>, vector<16xf32>,
      %swap3A_730 = arith.constant 0 : i32
      %swap3A_731 = arith.index_cast %swap3A_730 : i32 to index
      %swap3A_732 = arith.index_cast %scan3A_691 : i32 to index
      %swap3A_733 = arith.constant 32 : index
      %swap3A_734 = tpu.vector_load %arg7[%swap3A_731, %swap3A_732, %swap3A_733] {strides = array<i32>} : memref<3x48x512xf32, #tpu.memory_space<vmem>>, vector<16xf32>,
      tpu.vector_store %arg7[%swap3A_731, %swap3A_732, %swap3A_733], %get3A_729 {strides = array<i32>} : memref<3x48x512xf32, #tpu.memory_space<vmem>>, vector<16xf32>,
      %swap3A_735 = arith.constant 1 : i32
      %swap3A_736 = arith.index_cast %swap3A_735 : i32 to index
      %swap3A_737 = arith.index_cast %scan3A_691 : i32 to index
      %swap3A_738 = arith.constant 32 : index
      %swap3A_739 = tpu.vector_load %arg7[%swap3A_736, %swap3A_737, %swap3A_738] {strides = array<i32>} : memref<3x48x512xf32, #tpu.memory_space<vmem>>, vector<16xf32>,
      tpu.vector_store %arg7[%swap3A_736, %swap3A_737, %swap3A_738], %get3A_729 {strides = array<i32>} : memref<3x48x512xf32, #tpu.memory_space<vmem>>, vector<16xf32>,
      %swap3A_740 = arith.constant 2 : i32
      %swap3A_741 = arith.index_cast %swap3A_740 : i32 to index
      %swap3A_742 = arith.index_cast %scan3A_691 : i32 to index
      %swap3A_743 = arith.constant 32 : index
      %swap3A_744 = tpu.vector_load %arg7[%swap3A_741, %swap3A_742, %swap3A_743] {strides = array<i32>} : memref<3x48x512xf32, #tpu.memory_space<vmem>>, vector<16xf32>,
      tpu.vector_store %arg7[%swap3A_741, %swap3A_742, %swap3A_743], %get3A_729 {strides = array<i32>} : memref<3x48x512xf32, #tpu.memory_space<vmem>>, vector<16xf32>,
      %get3A_745 = arith.index_cast %scan3A_691 : i32 to index
      %get3A_746 = arith.constant 48 : index
      %get3A_747 = tpu.vector_load %arg5[%get3A_745, %get3A_746] {strides = array<i32>} : memref<48x256xf32, #tpu.memory_space<vmem>>, vector<16xf32>,
      %swap3A_748 = arith.constant 0 : i32
      %swap3A_749 = arith.index_cast %swap3A_748 : i32 to index
      %swap3A_750 = arith.index_cast %scan3A_691 : i32 to index
      %swap3A_751 = arith.constant 48 : index
      %swap3A_752 = tpu.vector_load %arg7[%swap3A_749, %swap3A_750, %swap3A_751] {strides = array<i32>} : memref<3x48x512xf32, #tpu.memory_space<vmem>>, vector<16xf32>,
      tpu.vector_store %arg7[%swap3A_749, %swap3A_750, %swap3A_751], %get3A_747 {strides = array<i32>} : memref<3x48x512xf32, #tpu.memory_space<vmem>>, vector<16xf32>,
      %swap3A_753 = arith.constant 1 : i32
      %swap3A_754 = arith.index_cast %swap3A_753 : i32 to index
      %swap3A_755 = arith.index_cast %scan3A_691 : i32 to index
      %swap3A_756 = arith.constant 48 : index
      %swap3A_757 = tpu.vector_load %arg7[%swap3A_754, %swap3A_755, %swap3A_756] {strides = array<i32>} : memref<3x48x512xf32, #tpu.memory_space<vmem>>, vector<16xf32>,
      tpu.vector_store %arg7[%swap3A_754, %swap3A_755, %swap3A_756], %get3A_747 {strides = array<i32>} : memref<3x48x512xf32, #tpu.memory_space<vmem>>, vector<16xf32>,
      %swap3A_758 = arith.constant 2 : i32
      %swap3A_759 = arith.index_cast %swap3A_758 : i32 to index
      %swap3A_760 = arith.index_cast %scan3A_691 : i32 to index
      %swap3A_761 = arith.constant 48 : index
      %swap3A_762 = tpu.vector_load %arg7[%swap3A_759, %swap3A_760, %swap3A_761] {strides = array<i32>} : memref<3x48x512xf32, #tpu.memory_space<vmem>>, vector<16xf32>,
      tpu.vector_store %arg7[%swap3A_759, %swap3A_760, %swap3A_761], %get3A_747 {strides = array<i32>} : memref<3x48x512xf32, #tpu.memory_space<vmem>>, vector<16xf32>,
      %get3A_763 = arith.index_cast %scan3A_691 : i32 to index
      %get3A_764 = arith.constant 64 : index
      %get3A_765 = tpu.vector_load %arg5[%get3A_763, %get3A_764] {strides = array<i32>} : memref<48x256xf32, #tpu.memory_space<vmem>>, vector<16xf32>,
      %swap3A_766 = arith.constant 0 : i32
      %swap3A_767 = arith.index_cast %swap3A_766 : i32 to index
      %swap3A_768 = arith.index_cast %scan3A_691 : i32 to index
      %swap3A_769 = arith.constant 64 : index
      %swap3A_770 = tpu.vector_load %arg7[%swap3A_767, %swap3A_768, %swap3A_769] {strides = array<i32>} : memref<3x48x512xf32, #tpu.memory_space<vmem>>, vector<16xf32>,
      tpu.vector_store %arg7[%swap3A_767, %swap3A_768, %swap3A_769], %get3A_765 {strides = array<i32>} : memref<3x48x512xf32, #tpu.memory_space<vmem>>, vector<16xf32>,
      %swap3A_771 = arith.constant 1 : i32
      %swap3A_772 = arith.index_cast %swap3A_771 : i32 to index
      %swap3A_773 = arith.index_cast %scan3A_691 : i32 to index
      %swap3A_774 = arith.constant 64 : index
      %swap3A_775 = tpu.vector_load %arg7[%swap3A_772, %swap3A_773, %swap3A_774] {strides = array<i32>} : memref<3x48x512xf32, #tpu.memory_space<vmem>>, vector<16xf32>,
      tpu.vector_store %arg7[%swap3A_772, %swap3A_773, %swap3A_774], %get3A_765 {strides = array<i32>} : memref<3x48x512xf32, #tpu.memory_space<vmem>>, vector<16xf32>,
      %swap3A_776 = arith.constant 2 : i32
      %swap3A_777 = arith.index_cast %swap3A_776 : i32 to index
      %swap3A_778 = arith.index_cast %scan3A_691 : i32 to index
      %swap3A_779 = arith.constant 64 : index
      %swap3A_780 = tpu.vector_load %arg7[%swap3A_777, %swap3A_778, %swap3A_779] {strides = array<i32>} : memref<3x48x512xf32, #tpu.memory_space<vmem>>, vector<16xf32>,
      tpu.vector_store %arg7[%swap3A_777, %swap3A_778, %swap3A_779], %get3A_765 {strides = array<i32>} : memref<3x48x512xf32, #tpu.memory_space<vmem>>, vector<16xf32>,
      %get3A_781 = arith.index_cast %scan3A_691 : i32 to index
      %get3A_782 = arith.constant 80 : index
      %get3A_783 = tpu.vector_load %arg5[%get3A_781, %get3A_782] {strides = array<i32>} : memref<48x256xf32, #tpu.memory_space<vmem>>, vector<16xf32>,
      %swap3A_784 = arith.constant 0 : i32
      %swap3A_785 = arith.index_cast %swap3A_784 : i32 to index
      %swap3A_786 = arith.index_cast %scan3A_691 : i32 to index
      %swap3A_787 = arith.constant 80 : index
      %swap3A_788 = tpu.vector_load %arg7[%swap3A_785, %swap3A_786, %swap3A_787] {strides = array<i32>} : memref<3x48x512xf32, #tpu.memory_space<vmem>>, vector<16xf32>,
      tpu.vector_store %arg7[%swap3A_785, %swap3A_786, %swap3A_787], %get3A_783 {strides = array<i32>} : memref<3x48x512xf32, #tpu.memory_space<vmem>>, vector<16xf32>,
      %swap3A_789 = arith.constant 1 : i32
      %swap3A_790 = arith.index_cast %swap3A_789 : i32 to index
      %swap3A_791 = arith.index_cast %scan3A_691 : i32 to index
      %swap3A_792 = arith.constant 80 : index
      %swap3A_793 = tpu.vector_load %arg7[%swap3A_790, %swap3A_791, %swap3A_792] {strides = array<i32>} : memref<3x48x512xf32, #tpu.memory_space<vmem>>, vector<16xf32>,
      tpu.vector_store %arg7[%swap3A_790, %swap3A_791, %swap3A_792], %get3A_783 {strides = array<i32>} : memref<3x48x512xf32, #tpu.memory_space<vmem>>, vector<16xf32>,
      %swap3A_794 = arith.constant 2 : i32
      %swap3A_795 = arith.index_cast %swap3A_794 : i32 to index
      %swap3A_796 = arith.index_cast %scan3A_691 : i32 to index
      %swap3A_797 = arith.constant 80 : index
      %swap3A_798 = tpu.vector_load %arg7[%swap3A_795, %swap3A_796, %swap3A_797] {strides = array<i32>} : memref<3x48x512xf32, #tpu.memory_space<vmem>>, vector<16xf32>,
      tpu.vector_store %arg7[%swap3A_795, %swap3A_796, %swap3A_797], %get3A_783 {strides = array<i32>} : memref<3x48x512xf32, #tpu.memory_space<vmem>>, vector<16xf32>,
      %get3A_799 = arith.index_cast %scan3A_691 : i32 to index
      %get3A_800 = arith.constant 96 : index
      %get3A_801 = tpu.vector_load %arg5[%get3A_799, %get3A_800] {strides = array<i32>} : memref<48x256xf32, #tpu.memory_space<vmem>>, vector<16xf32>,
      %swap3A_802 = arith.constant 0 : i32
      %swap3A_803 = arith.index_cast %swap3A_802 : i32 to index
      %swap3A_804 = arith.index_cast %scan3A_691 : i32 to index
      %swap3A_805 = arith.constant 96 : index
      %swap3A_806 = tpu.vector_load %arg7[%swap3A_803, %swap3A_804, %swap3A_805] {strides = array<i32>} : memref<3x48x512xf32, #tpu.memory_space<vmem>>, vector<16xf32>,
      tpu.vector_store %arg7[%swap3A_803, %swap3A_804, %swap3A_805], %get3A_801 {strides = array<i32>} : memref<3x48x512xf32, #tpu.memory_space<vmem>>, vector<16xf32>,
      %swap3A_807 = arith.constant 1 : i32
      %swap3A_808 = arith.index_cast %swap3A_807 : i32 to index
      %swap3A_809 = arith.index_cast %scan3A_691 : i32 to index
      %swap3A_810 = arith.constant 96 : index
      %swap3A_811 = tpu.vector_load %arg7[%swap3A_808, %swap3A_809, %swap3A_810] {strides = array<i32>} : memref<3x48x512xf32, #tpu.memory_space<vmem>>, vector<16xf32>,
      tpu.vector_store %arg7[%swap3A_808, %swap3A_809, %swap3A_810], %get3A_801 {strides = array<i32>} : memref<3x48x512xf32, #tpu.memory_space<vmem>>, vector<16xf32>,
      %swap3A_812 = arith.constant 2 : i32
      %swap3A_813 = arith.index_cast %swap3A_812 : i32 to index
      %swap3A_814 = arith.index_cast %scan3A_691 : i32 to index
      %swap3A_815 = arith.constant 96 : index
      %swap3A_816 = tpu.vector_load %arg7[%swap3A_813, %swap3A_814, %swap3A_815] {strides = array<i32>} : memref<3x48x512xf32, #tpu.memory_space<vmem>>, vector<16xf32>,
      tpu.vector_store %arg7[%swap3A_813, %swap3A_814, %swap3A_815], %get3A_801 {strides = array<i32>} : memref<3x48x512xf32, #tpu.memory_space<vmem>>, vector<16xf32>,
      %get3A_817 = arith.index_cast %scan3A_691 : i32 to index
      %get3A_818 = arith.constant 112 : index
      %get3A_819 = tpu.vector_load %arg5[%get3A_817, %get3A_818] {strides = array<i32>} : memref<48x256xf32, #tpu.memory_space<vmem>>, vector<16xf32>,
      %swap3A_820 = arith.constant 0 : i32
      %swap3A_821 = arith.index_cast %swap3A_820 : i32 to index
      %swap3A_822 = arith.index_cast %scan3A_691 : i32 to index
      %swap3A_823 = arith.constant 112 : index
      %swap3A_824 = tpu.vector_load %arg7[%swap3A_821, %swap3A_822, %swap3A_823] {strides = array<i32>} : memref<3x48x512xf32, #tpu.memory_space<vmem>>, vector<16xf32>,
      tpu.vector_store %arg7[%swap3A_821, %swap3A_822, %swap3A_823], %get3A_819 {strides = array<i32>} : memref<3x48x512xf32, #tpu.memory_space<vmem>>, vector<16xf32>,
      %swap3A_825 = arith.constant 1 : i32
      %swap3A_826 = arith.index_cast %swap3A_825 : i32 to index
      %swap3A_827 = arith.index_cast %scan3A_691 : i32 to index
      %swap3A_828 = arith.constant 112 : index
      %swap3A_829 = tpu.vector_load %arg7[%swap3A_826, %swap3A_827, %swap3A_828] {strides = array<i32>} : memref<3x48x512xf32, #tpu.memory_space<vmem>>, vector<16xf32>,
      tpu.vector_store %arg7[%swap3A_826, %swap3A_827, %swap3A_828], %get3A_819 {strides = array<i32>} : memref<3x48x512xf32, #tpu.memory_space<vmem>>, vector<16xf32>,
      %swap3A_830 = arith.constant 2 : i32
      %swap3A_831 = arith.index_cast %swap3A_830 : i32 to index
      %swap3A_832 = arith.index_cast %scan3A_691 : i32 to index
      %swap3A_833 = arith.constant 112 : index
      %swap3A_834 = tpu.vector_load %arg7[%swap3A_831, %swap3A_832, %swap3A_833] {strides = array<i32>} : memref<3x48x512xf32, #tpu.memory_space<vmem>>, vector<16xf32>,
      tpu.vector_store %arg7[%swap3A_831, %swap3A_832, %swap3A_833], %get3A_819 {strides = array<i32>} : memref<3x48x512xf32, #tpu.memory_space<vmem>>, vector<16xf32>,
      %get3A_835 = arith.index_cast %scan3A_691 : i32 to index
      %get3A_836 = arith.constant 128 : index
      %get3A_837 = tpu.vector_load %arg5[%get3A_835, %get3A_836] {strides = array<i32>} : memref<48x256xf32, #tpu.memory_space<vmem>>, vector<16xf32>,
      %swap3A_838 = arith.constant 0 : i32
      %swap3A_839 = arith.index_cast %swap3A_838 : i32 to index
      %swap3A_840 = arith.index_cast %scan3A_691 : i32 to index
      %swap3A_841 = arith.constant 128 : index
      %swap3A_842 = tpu.vector_load %arg7[%swap3A_839, %swap3A_840, %swap3A_841] {strides = array<i32>} : memref<3x48x512xf32, #tpu.memory_space<vmem>>, vector<16xf32>,
      tpu.vector_store %arg7[%swap3A_839, %swap3A_840, %swap3A_841], %get3A_837 {strides = array<i32>} : memref<3x48x512xf32, #tpu.memory_space<vmem>>, vector<16xf32>,
      %swap3A_843 = arith.constant 1 : i32
      %swap3A_844 = arith.index_cast %swap3A_843 : i32 to index
      %swap3A_845 = arith.index_cast %scan3A_691 : i32 to index
      %swap3A_846 = arith.constant 128 : index
      %swap3A_847 = tpu.vector_load %arg7[%swap3A_844, %swap3A_845, %swap3A_846] {strides = array<i32>} : memref<3x48x512xf32, #tpu.memory_space<vmem>>, vector<16xf32>,
      tpu.vector_store %arg7[%swap3A_844, %swap3A_845, %swap3A_846], %get3A_837 {strides = array<i32>} : memref<3x48x512xf32, #tpu.memory_space<vmem>>, vector<16xf32>,
      %swap3A_848 = arith.constant 2 : i32
      %swap3A_849 = arith.index_cast %swap3A_848 : i32 to index
      %swap3A_850 = arith.index_cast %scan3A_691 : i32 to index
      %swap3A_851 = arith.constant 128 : index
      %swap3A_852 = tpu.vector_load %arg7[%swap3A_849, %swap3A_850, %swap3A_851] {strides = array<i32>} : memref<3x48x512xf32, #tpu.memory_space<vmem>>, vector<16xf32>,
      tpu.vector_store %arg7[%swap3A_849, %swap3A_850, %swap3A_851], %get3A_837 {strides = array<i32>} : memref<3x48x512xf32, #tpu.memory_space<vmem>>, vector<16xf32>,
      %get3A_853 = arith.index_cast %scan3A_691 : i32 to index
      %get3A_854 = arith.constant 144 : index
      %get3A_855 = tpu.vector_load %arg5[%get3A_853, %get3A_854] {strides = array<i32>} : memref<48x256xf32, #tpu.memory_space<vmem>>, vector<16xf32>,
      %swap3A_856 = arith.constant 0 : i32
      %swap3A_857 = arith.index_cast %swap3A_856 : i32 to index
      %swap3A_858 = arith.index_cast %scan3A_691 : i32 to index
      %swap3A_859 = arith.constant 144 : index
      %swap3A_860 = tpu.vector_load %arg7[%swap3A_857, %swap3A_858, %swap3A_859] {strides = array<i32>} : memref<3x48x512xf32, #tpu.memory_space<vmem>>, vector<16xf32>,
      tpu.vector_store %arg7[%swap3A_857, %swap3A_858, %swap3A_859], %get3A_855 {strides = array<i32>} : memref<3x48x512xf32, #tpu.memory_space<vmem>>, vector<16xf32>,
      %swap3A_861 = arith.constant 1 : i32
      %swap3A_862 = arith.index_cast %swap3A_861 : i32 to index
      %swap3A_863 = arith.index_cast %scan3A_691 : i32 to index
      %swap3A_864 = arith.constant 144 : index
      %swap3A_865 = tpu.vector_load %arg7[%swap3A_862, %swap3A_863, %swap3A_864] {strides = array<i32>} : memref<3x48x512xf32, #tpu.memory_space<vmem>>, vector<16xf32>,
      tpu.vector_store %arg7[%swap3A_862, %swap3A_863, %swap3A_864], %get3A_855 {strides = array<i32>} : memref<3x48x512xf32, #tpu.memory_space<vmem>>, vector<16xf32>,
      %swap3A_866 = arith.constant 2 : i32
      %swap3A_867 = arith.index_cast %swap3A_866 : i32 to index
      %swap3A_868 = arith.index_cast %scan3A_691 : i32 to index
      %swap3A_869 = arith.constant 144 : index
      %swap3A_870 = tpu.vector_load %arg7[%swap3A_867, %swap3A_868, %swap3A_869] {strides = array<i32>} : memref<3x48x512xf32, #tpu.memory_space<vmem>>, vector<16xf32>,
      tpu.vector_store %arg7[%swap3A_867, %swap3A_868, %swap3A_869], %get3A_855 {strides = array<i32>} : memref<3x48x512xf32, #tpu.memory_space<vmem>>, vector<16xf32>,
      %get3A_871 = arith.index_cast %scan3A_691 : i32 to index
      %get3A_872 = arith.constant 160 : index
      %get3A_873 = tpu.vector_load %arg5[%get3A_871, %get3A_872] {strides = array<i32>} : memref<48x256xf32, #tpu.memory_space<vmem>>, vector<16xf32>,
      %swap3A_874 = arith.constant 0 : i32
      %swap3A_875 = arith.index_cast %swap3A_874 : i32 to index
      %swap3A_876 = arith.index_cast %scan3A_691 : i32 to index
      %swap3A_877 = arith.constant 160 : index
      %swap3A_878 = tpu.vector_load %arg7[%swap3A_875, %swap3A_876, %swap3A_877] {strides = array<i32>} : memref<3x48x512xf32, #tpu.memory_space<vmem>>, vector<16xf32>,
      tpu.vector_store %arg7[%swap3A_875, %swap3A_876, %swap3A_877], %get3A_873 {strides = array<i32>} : memref<3x48x512xf32, #tpu.memory_space<vmem>>, vector<16xf32>,
      %swap3A_879 = arith.constant 1 : i32
      %swap3A_880 = arith.index_cast %swap3A_879 : i32 to index
      %swap3A_881 = arith.index_cast %scan3A_691 : i32 to index
      %swap3A_882 = arith.constant 160 : index
      %swap3A_883 = tpu.vector_load %arg7[%swap3A_880, %swap3A_881, %swap3A_882] {strides = array<i32>} : memref<3x48x512xf32, #tpu.memory_space<vmem>>, vector<16xf32>,
      tpu.vector_store %arg7[%swap3A_880, %swap3A_881, %swap3A_882], %get3A_873 {strides = array<i32>} : memref<3x48x512xf32, #tpu.memory_space<vmem>>, vector<16xf32>,
      %swap3A_884 = arith.constant 2 : i32
      %swap3A_885 = arith.index_cast %swap3A_884 : i32 to index
      %swap3A_886 = arith.index_cast %scan3A_691 : i32 to index
      %swap3A_887 = arith.constant 160 : index
      %swap3A_888 = tpu.vector_load %arg7[%swap3A_885, %swap3A_886, %swap3A_887] {strides = array<i32>} : memref<3x48x512xf32, #tpu.memory_space<vmem>>, vector<16xf32>,
      tpu.vector_store %arg7[%swap3A_885, %swap3A_886, %swap3A_887], %get3A_873 {strides = array<i32>} : memref<3x48x512xf32, #tpu.memory_space<vmem>>, vector<16xf32>,
      %get3A_889 = arith.index_cast %scan3A_691 : i32 to index
      %get3A_890 = arith.constant 176 : index
      %get3A_891 = tpu.vector_load %arg5[%get3A_889, %get3A_890] {strides = array<i32>} : memref<48x256xf32, #tpu.memory_space<vmem>>, vector<16xf32>,
      %swap3A_892 = arith.constant 0 : i32
      %swap3A_893 = arith.index_cast %swap3A_892 : i32 to index
      %swap3A_894 = arith.index_cast %scan3A_691 : i32 to index
      %swap3A_895 = arith.constant 176 : index
      %swap3A_896 = tpu.vector_load %arg7[%swap3A_893, %swap3A_894, %swap3A_895] {strides = array<i32>} : memref<3x48x512xf32, #tpu.memory_space<vmem>>, vector<16xf32>,
      tpu.vector_store %arg7[%swap3A_893, %swap3A_894, %swap3A_895], %get3A_891 {strides = array<i32>} : memref<3x48x512xf32, #tpu.memory_space<vmem>>, vector<16xf32>,
      %swap3A_897 = arith.constant 1 : i32
      %swap3A_898 = arith.index_cast %swap3A_897 : i32 to index
      %swap3A_899 = arith.index_cast %scan3A_691 : i32 to index
      %swap3A_900 = arith.constant 176 : index
      %swap3A_901 = tpu.vector_load %arg7[%swap3A_898, %swap3A_899, %swap3A_900] {strides = array<i32>} : memref<3x48x512xf32, #tpu.memory_space<vmem>>, vector<16xf32>,
      tpu.vector_store %arg7[%swap3A_898, %swap3A_899, %swap3A_900], %get3A_891 {strides = array<i32>} : memref<3x48x512xf32, #tpu.memory_space<vmem>>, vector<16xf32>,
      %swap3A_902 = arith.constant 2 : i32
      %swap3A_903 = arith.index_cast %swap3A_902 : i32 to index
      %swap3A_904 = arith.index_cast %scan3A_691 : i32 to index
      %swap3A_905 = arith.constant 176 : index
      %swap3A_906 = tpu.vector_load %arg7[%swap3A_903, %swap3A_904, %swap3A_905] {strides = array<i32>} : memref<3x48x512xf32, #tpu.memory_space<vmem>>, vector<16xf32>,
      tpu.vector_store %arg7[%swap3A_903, %swap3A_904, %swap3A_905], %get3A_891 {strides = array<i32>} : memref<3x48x512xf32, #tpu.memory_space<vmem>>, vector<16xf32>,
      %get3A_907 = arith.index_cast %scan3A_691 : i32 to index
      %get3A_908 = arith.constant 192 : index
      %get3A_909 = tpu.vector_load %arg5[%get3A_907, %get3A_908] {strides = array<i32>} : memref<48x256xf32, #tpu.memory_space<vmem>>, vector<16xf32>,
      %swap3A_910 = arith.constant 0 : i32
      %swap3A_911 = arith.index_cast %swap3A_910 : i32 to index
      %swap3A_912 = arith.index_cast %scan3A_691 : i32 to index
      %swap3A_913 = arith.constant 192 : index
      %swap3A_914 = tpu.vector_load %arg7[%swap3A_911, %swap3A_912, %swap3A_913] {strides = array<i32>} : memref<3x48x512xf32, #tpu.memory_space<vmem>>, vector<16xf32>,
      tpu.vector_store %arg7[%swap3A_911, %swap3A_912, %swap3A_913], %get3A_909 {strides = array<i32>} : memref<3x48x512xf32, #tpu.memory_space<vmem>>, vector<16xf32>,
      %swap3A_915 = arith.constant 1 : i32
      %swap3A_916 = arith.index_cast %swap3A_915 : i32 to index
      %swap3A_917 = arith.index_cast %scan3A_691 : i32 to index
      %swap3A_918 = arith.constant 192 : index
      %swap3A_919 = tpu.vector_load %arg7[%swap3A_916, %swap3A_917, %swap3A_918] {strides = array<i32>} : memref<3x48x512xf32, #tpu.memory_space<vmem>>, vector<16xf32>,
      tpu.vector_store %arg7[%swap3A_916, %swap3A_917, %swap3A_918], %get3A_909 {strides = array<i32>} : memref<3x48x512xf32, #tpu.memory_space<vmem>>, vector<16xf32>,
      %swap3A_920 = arith.constant 2 : i32
      %swap3A_921 = arith.index_cast %swap3A_920 : i32 to index
      %swap3A_922 = arith.index_cast %scan3A_691 : i32 to index
      %swap3A_923 = arith.constant 192 : index
      %swap3A_924 = tpu.vector_load %arg7[%swap3A_921, %swap3A_922, %swap3A_923] {strides = array<i32>} : memref<3x48x512xf32, #tpu.memory_space<vmem>>, vector<16xf32>,
      tpu.vector_store %arg7[%swap3A_921, %swap3A_922, %swap3A_923], %get3A_909 {strides = array<i32>} : memref<3x48x512xf32, #tpu.memory_space<vmem>>, vector<16xf32>,
      %get3A_925 = arith.index_cast %scan3A_691 : i32 to index
      %get3A_926 = arith.constant 208 : index
      %get3A_927 = tpu.vector_load %arg5[%get3A_925, %get3A_926] {strides = array<i32>} : memref<48x256xf32, #tpu.memory_space<vmem>>, vector<16xf32>,
      %swap3A_928 = arith.constant 0 : i32
      %swap3A_929 = arith.index_cast %swap3A_928 : i32 to index
      %swap3A_930 = arith.index_cast %scan3A_691 : i32 to index
      %swap3A_931 = arith.constant 208 : index
      %swap3A_932 = tpu.vector_load %arg7[%swap3A_929, %swap3A_930, %swap3A_931] {strides = array<i32>} : memref<3x48x512xf32, #tpu.memory_space<vmem>>, vector<16xf32>,
      tpu.vector_store %arg7[%swap3A_929, %swap3A_930, %swap3A_931], %get3A_927 {strides = array<i32>} : memref<3x48x512xf32, #tpu.memory_space<vmem>>, vector<16xf32>,
      %swap3A_933 = arith.constant 1 : i32
      %swap3A_934 = arith.index_cast %swap3A_933 : i32 to index
      %swap3A_935 = arith.index_cast %scan3A_691 : i32 to index
      %swap3A_936 = arith.constant 208 : index
      %swap3A_937 = tpu.vector_load %arg7[%swap3A_934, %swap3A_935, %swap3A_936] {strides = array<i32>} : memref<3x48x512xf32, #tpu.memory_space<vmem>>, vector<16xf32>,
      tpu.vector_store %arg7[%swap3A_934, %swap3A_935, %swap3A_936], %get3A_927 {strides = array<i32>} : memref<3x48x512xf32, #tpu.memory_space<vmem>>, vector<16xf32>,
      %swap3A_938 = arith.constant 2 : i32
      %swap3A_939 = arith.index_cast %swap3A_938 : i32 to index
      %swap3A_940 = arith.index_cast %scan3A_691 : i32 to index
      %swap3A_941 = arith.constant 208 : index
      %swap3A_942 = tpu.vector_load %arg7[%swap3A_939, %swap3A_940, %swap3A_941] {strides = array<i32>} : memref<3x48x512xf32, #tpu.memory_space<vmem>>, vector<16xf32>,
      tpu.vector_store %arg7[%swap3A_939, %swap3A_940, %swap3A_941], %get3A_927 {strides = array<i32>} : memref<3x48x512xf32, #tpu.memory_space<vmem>>, vector<16xf32>,
      %get3A_943 = arith.index_cast %scan3A_691 : i32 to index
      %get3A_944 = arith.constant 224 : index
      %get3A_945 = tpu.vector_load %arg5[%get3A_943, %get3A_944] {strides = array<i32>} : memref<48x256xf32, #tpu.memory_space<vmem>>, vector<16xf32>,
      %swap3A_946 = arith.constant 0 : i32
      %swap3A_947 = arith.index_cast %swap3A_946 : i32 to index
      %swap3A_948 = arith.index_cast %scan3A_691 : i32 to index
      %swap3A_949 = arith.constant 224 : index
      %swap3A_950 = tpu.vector_load %arg7[%swap3A_947, %swap3A_948, %swap3A_949] {strides = array<i32>} : memref<3x48x512xf32, #tpu.memory_space<vmem>>, vector<16xf32>,
      tpu.vector_store %arg7[%swap3A_947, %swap3A_948, %swap3A_949], %get3A_945 {strides = array<i32>} : memref<3x48x512xf32, #tpu.memory_space<vmem>>, vector<16xf32>,
      %swap3A_951 = arith.constant 1 : i32
      %swap3A_952 = arith.index_cast %swap3A_951 : i32 to index
      %swap3A_953 = arith.index_cast %scan3A_691 : i32 to index
      %swap3A_954 = arith.constant 224 : index
      %swap3A_955 = tpu.vector_load %arg7[%swap3A_952, %swap3A_953, %swap3A_954] {strides = array<i32>} : memref<3x48x512xf32, #tpu.memory_space<vmem>>, vector<16xf32>,
      tpu.vector_store %arg7[%swap3A_952, %swap3A_953, %swap3A_954], %get3A_945 {strides = array<i32>} : memref<3x48x512xf32, #tpu.memory_space<vmem>>, vector<16xf32>,
      %swap3A_956 = arith.constant 2 : i32
      %swap3A_957 = arith.index_cast %swap3A_956 : i32 to index
      %swap3A_958 = arith.index_cast %scan3A_691 : i32 to index
      %swap3A_959 = arith.constant 224 : index
      %swap3A_960 = tpu.vector_load %arg7[%swap3A_957, %swap3A_958, %swap3A_959] {strides = array<i32>} : memref<3x48x512xf32, #tpu.memory_space<vmem>>, vector<16xf32>,
      tpu.vector_store %arg7[%swap3A_957, %swap3A_958, %swap3A_959], %get3A_945 {strides = array<i32>} : memref<3x48x512xf32, #tpu.memory_space<vmem>>, vector<16xf32>,
      %get3A_961 = arith.index_cast %scan3A_691 : i32 to index
      %get3A_962 = arith.constant 240 : index
      %get3A_963 = tpu.vector_load %arg5[%get3A_961, %get3A_962] {strides = array<i32>} : memref<48x256xf32, #tpu.memory_space<vmem>>, vector<16xf32>,
      %swap3A_964 = arith.constant 0 : i32
      %swap3A_965 = arith.index_cast %swap3A_964 : i32 to index
      %swap3A_966 = arith.index_cast %scan3A_691 : i32 to index
      %swap3A_967 = arith.constant 240 : index
      %swap3A_968 = tpu.vector_load %arg7[%swap3A_965, %swap3A_966, %swap3A_967] {strides = array<i32>} : memref<3x48x512xf32, #tpu.memory_space<vmem>>, vector<16xf32>,
      tpu.vector_store %arg7[%swap3A_965, %swap3A_966, %swap3A_967], %get3A_963 {strides = array<i32>} : memref<3x48x512xf32, #tpu.memory_space<vmem>>, vector<16xf32>,
      %swap3A_969 = arith.constant 1 : i32
      %swap3A_970 = arith.index_cast %swap3A_969 : i32 to index
      %swap3A_971 = arith.index_cast %scan3A_691 : i32 to index
      %swap3A_972 = arith.constant 240 : index
      %swap3A_973 = tpu.vector_load %arg7[%swap3A_970, %swap3A_971, %swap3A_972] {strides = array<i32>} : memref<3x48x512xf32, #tpu.memory_space<vmem>>, vector<16xf32>,
      tpu.vector_store %arg7[%swap3A_970, %swap3A_971, %swap3A_972], %get3A_963 {strides = array<i32>} : memref<3x48x512xf32, #tpu.memory_space<vmem>>, vector<16xf32>,
      %swap3A_974 = arith.constant 2 : i32
      %swap3A_975 = arith.index_cast %swap3A_974 : i32 to index
      %swap3A_976 = arith.index_cast %scan3A_691 : i32 to index
      %swap3A_977 = arith.constant 240 : index
      %swap3A_978 = tpu.vector_load %arg7[%swap3A_975, %swap3A_976, %swap3A_977] {strides = array<i32>} : memref<3x48x512xf32, #tpu.memory_space<vmem>>, vector<16xf32>,
      tpu.vector_store %arg7[%swap3A_975, %swap3A_976, %swap3A_977], %get3A_963 {strides = array<i32>} : memref<3x48x512xf32, #tpu.memory_space<vmem>>, vector<16xf32>,
      %swap3A_979 = arith.constant 0 : i32
      %swap3A_980 = arith.index_cast %swap3A_979 : i32 to index
      %swap3A_981 = arith.index_cast %scan3A_691 : i32 to index
      %swap3A_982 = arith.constant 256 : index
      %swap3A_983 = tpu.vector_load %arg7[%swap3A_980, %swap3A_981, %swap3A_982] {strides = array<i32>} : memref<3x48x512xf32, #tpu.memory_space<vmem>>, vector<16xf32>,
      tpu.vector_store %arg7[%swap3A_980, %swap3A_981, %swap3A_982], %get3A_36 {strides = array<i32>} : memref<3x48x512xf32, #tpu.memory_space<vmem>>, vector<16xf32>,
      %swap3A_984 = arith.constant 0 : i32
      %swap3A_985 = arith.index_cast %swap3A_984 : i32 to index
      %swap3A_986 = arith.index_cast %scan3A_691 : i32 to index
      %swap3A_987 = arith.constant 272 : index
      %swap3A_988 = tpu.vector_load %arg7[%swap3A_985, %swap3A_986, %swap3A_987] {strides = array<i32>} : memref<3x48x512xf32, #tpu.memory_space<vmem>>, vector<16xf32>,
      tpu.vector_store %arg7[%swap3A_985, %swap3A_986, %swap3A_987], %get3A_43 {strides = array<i32>} : memref<3x48x512xf32, #tpu.memory_space<vmem>>, vector<16xf32>,
      %swap3A_989 = arith.constant 0 : i32
      %swap3A_990 = arith.index_cast %swap3A_989 : i32 to index
      %swap3A_991 = arith.index_cast %scan3A_691 : i32 to index
      %swap3A_992 = arith.constant 288 : index
      %swap3A_993 = tpu.vector_load %arg7[%swap3A_990, %swap3A_991, %swap3A_992] {strides = array<i32>} : memref<3x48x512xf32, #tpu.memory_space<vmem>>, vector<16xf32>,
      tpu.vector_store %arg7[%swap3A_990, %swap3A_991, %swap3A_992], %get3A_50 {strides = array<i32>} : memref<3x48x512xf32, #tpu.memory_space<vmem>>, vector<16xf32>,
      %swap3A_994 = arith.constant 0 : i32
      %swap3A_995 = arith.index_cast %swap3A_994 : i32 to index
      %swap3A_996 = arith.index_cast %scan3A_691 : i32 to index
      %swap3A_997 = arith.constant 304 : index
      %swap3A_998 = tpu.vector_load %arg7[%swap3A_995, %swap3A_996, %swap3A_997] {strides = array<i32>} : memref<3x48x512xf32, #tpu.memory_space<vmem>>, vector<16xf32>,
      tpu.vector_store %arg7[%swap3A_995, %swap3A_996, %swap3A_997], %get3A_57 {strides = array<i32>} : memref<3x48x512xf32, #tpu.memory_space<vmem>>, vector<16xf32>,
      %swap3A_999 = arith.constant 0 : i32
      %swap3A_1000 = arith.index_cast %swap3A_999 : i32 to index
      %swap3A_1001 = arith.index_cast %scan3A_691 : i32 to index
      %swap3A_1002 = arith.constant 320 : index
      %swap3A_1003 = tpu.vector_load %arg7[%swap3A_1000, %swap3A_1001, %swap3A_1002] {strides = array<i32>} : memref<3x48x512xf32, #tpu.memory_space<vmem>>, vector<16xf32>,
      tpu.vector_store %arg7[%swap3A_1000, %swap3A_1001, %swap3A_1002], %get3A_64 {strides = array<i32>} : memref<3x48x512xf32, #tpu.memory_space<vmem>>, vector<16xf32>,
      %swap3A_1004 = arith.constant 0 : i32
      %swap3A_1005 = arith.index_cast %swap3A_1004 : i32 to index
      %swap3A_1006 = arith.index_cast %scan3A_691 : i32 to index
      %swap3A_1007 = arith.constant 336 : index
      %swap3A_1008 = tpu.vector_load %arg7[%swap3A_1005, %swap3A_1006, %swap3A_1007] {strides = array<i32>} : memref<3x48x512xf32, #tpu.memory_space<vmem>>, vector<16xf32>,
      tpu.vector_store %arg7[%swap3A_1005, %swap3A_1006, %swap3A_1007], %get3A_71 {strides = array<i32>} : memref<3x48x512xf32, #tpu.memory_space<vmem>>, vector<16xf32>,
      %swap3A_1009 = arith.constant 0 : i32
      %swap3A_1010 = arith.index_cast %swap3A_1009 : i32 to index
      %swap3A_1011 = arith.index_cast %scan3A_691 : i32 to index
      %swap3A_1012 = arith.constant 352 : index
      %swap3A_1013 = tpu.vector_load %arg7[%swap3A_1010, %swap3A_1011, %swap3A_1012] {strides = array<i32>} : memref<3x48x512xf32, #tpu.memory_space<vmem>>, vector<16xf32>,
      tpu.vector_store %arg7[%swap3A_1010, %swap3A_1011, %swap3A_1012], %get3A_78 {strides = array<i32>} : memref<3x48x512xf32, #tpu.memory_space<vmem>>, vector<16xf32>,
      %swap3A_1014 = arith.constant 0 : i32
      %swap3A_1015 = arith.index_cast %swap3A_1014 : i32 to index
      %swap3A_1016 = arith.index_cast %scan3A_691 : i32 to index
      %swap3A_1017 = arith.constant 368 : index
      %swap3A_1018 = tpu.vector_load %arg7[%swap3A_1015, %swap3A_1016, %swap3A_1017] {strides = array<i32>} : memref<3x48x512xf32, #tpu.memory_space<vmem>>, vector<16xf32>,
      tpu.vector_store %arg7[%swap3A_1015, %swap3A_1016, %swap3A_1017], %get3A_85 {strides = array<i32>} : memref<3x48x512xf32, #tpu.memory_space<vmem>>, vector<16xf32>,
      %swap3A_1019 = arith.constant 0 : i32
      %swap3A_1020 = arith.index_cast %swap3A_1019 : i32 to index
      %swap3A_1021 = arith.index_cast %scan3A_691 : i32 to index
      %swap3A_1022 = arith.constant 384 : index
      %swap3A_1023 = tpu.vector_load %arg7[%swap3A_1020, %swap3A_1021, %swap3A_1022] {strides = array<i32>} : memref<3x48x512xf32, #tpu.memory_space<vmem>>, vector<16xf32>,
      tpu.vector_store %arg7[%swap3A_1020, %swap3A_1021, %swap3A_1022], %get3A_92 {strides = array<i32>} : memref<3x48x512xf32, #tpu.memory_space<vmem>>, vector<16xf32>,
      %swap3A_1024 = arith.constant 0 : i32
      %swap3A_1025 = arith.index_cast %swap3A_1024 : i32 to index
      %swap3A_1026 = arith.index_cast %scan3A_691 : i32 to index
      %swap3A_1027 = arith.constant 400 : index
      %swap3A_1028 = tpu.vector_load %arg7[%swap3A_1025, %swap3A_1026, %swap3A_1027] {strides = array<i32>} : memref<3x48x512xf32, #tpu.memory_space<vmem>>, vector<16xf32>,
      tpu.vector_store %arg7[%swap3A_1025, %swap3A_1026, %swap3A_1027], %get3A_99 {strides = array<i32>} : memref<3x48x512xf32, #tpu.memory_space<vmem>>, vector<16xf32>,
      %swap3A_1029 = arith.constant 0 : i32
      %swap3A_1030 = arith.index_cast %swap3A_1029 : i32 to index
      %swap3A_1031 = arith.index_cast %scan3A_691 : i32 to index
      %swap3A_1032 = arith.constant 416 : index
      %swap3A_1033 = tpu.vector_load %arg7[%swap3A_1030, %swap3A_1031, %swap3A_1032] {strides = array<i32>} : memref<3x48x512xf32, #tpu.memory_space<vmem>>, vector<16xf32>,
      tpu.vector_store %arg7[%swap3A_1030, %swap3A_1031, %swap3A_1032], %get3A_106 {strides = array<i32>} : memref<3x48x512xf32, #tpu.memory_space<vmem>>, vector<16xf32>,
      %swap3A_1034 = arith.constant 0 : i32
      %swap3A_1035 = arith.index_cast %swap3A_1034 : i32 to index
      %swap3A_1036 = arith.index_cast %scan3A_691 : i32 to index
      %swap3A_1037 = arith.constant 432 : index
      %swap3A_1038 = tpu.vector_load %arg7[%swap3A_1035, %swap3A_1036, %swap3A_1037] {strides = array<i32>} : memref<3x48x512xf32, #tpu.memory_space<vmem>>, vector<16xf32>,
      tpu.vector_store %arg7[%swap3A_1035, %swap3A_1036, %swap3A_1037], %get3A_113 {strides = array<i32>} : memref<3x48x512xf32, #tpu.memory_space<vmem>>, vector<16xf32>,
      %swap3A_1039 = arith.constant 0 : i32
      %swap3A_1040 = arith.index_cast %swap3A_1039 : i32 to index
      %swap3A_1041 = arith.index_cast %scan3A_691 : i32 to index
      %swap3A_1042 = arith.constant 448 : index
      %swap3A_1043 = tpu.vector_load %arg7[%swap3A_1040, %swap3A_1041, %swap3A_1042] {strides = array<i32>} : memref<3x48x512xf32, #tpu.memory_space<vmem>>, vector<16xf32>,
      tpu.vector_store %arg7[%swap3A_1040, %swap3A_1041, %swap3A_1042], %get3A_120 {strides = array<i32>} : memref<3x48x512xf32, #tpu.memory_space<vmem>>, vector<16xf32>,
      %swap3A_1044 = arith.constant 0 : i32
      %swap3A_1045 = arith.index_cast %swap3A_1044 : i32 to index
      %swap3A_1046 = arith.index_cast %scan3A_691 : i32 to index
      %swap3A_1047 = arith.constant 464 : index
      %swap3A_1048 = tpu.vector_load %arg7[%swap3A_1045, %swap3A_1046, %swap3A_1047] {strides = array<i32>} : memref<3x48x512xf32, #tpu.memory_space<vmem>>, vector<16xf32>,
      tpu.vector_store %arg7[%swap3A_1045, %swap3A_1046, %swap3A_1047], %get3A_127 {strides = array<i32>} : memref<3x48x512xf32, #tpu.memory_space<vmem>>, vector<16xf32>,
      %swap3A_1049 = arith.constant 0 : i32
      %swap3A_1050 = arith.index_cast %swap3A_1049 : i32 to index
      %swap3A_1051 = arith.index_cast %scan3A_691 : i32 to index
      %swap3A_1052 = arith.constant 480 : index
      %swap3A_1053 = tpu.vector_load %arg7[%swap3A_1050, %swap3A_1051, %swap3A_1052] {strides = array<i32>} : memref<3x48x512xf32, #tpu.memory_space<vmem>>, vector<16xf32>,
      tpu.vector_store %arg7[%swap3A_1050, %swap3A_1051, %swap3A_1052], %get3A_134 {strides = array<i32>} : memref<3x48x512xf32, #tpu.memory_space<vmem>>, vector<16xf32>,
      %swap3A_1054 = arith.constant 0 : i32
      %swap3A_1055 = arith.index_cast %swap3A_1054 : i32 to index
      %swap3A_1056 = arith.index_cast %scan3A_691 : i32 to index
      %swap3A_1057 = arith.constant 496 : index
      %swap3A_1058 = tpu.vector_load %arg7[%swap3A_1055, %swap3A_1056, %swap3A_1057] {strides = array<i32>} : memref<3x48x512xf32, #tpu.memory_space<vmem>>, vector<16xf32>,
      tpu.vector_store %arg7[%swap3A_1055, %swap3A_1056, %swap3A_1057], %get3A_141 {strides = array<i32>} : memref<3x48x512xf32, #tpu.memory_space<vmem>>, vector<16xf32>,
      %swap3A_1059 = arith.constant 1 : i32
      %swap3A_1060 = arith.index_cast %swap3A_1059 : i32 to index
      %swap3A_1061 = arith.index_cast %scan3A_691 : i32 to index
      %swap3A_1062 = arith.constant 256 : index
      %swap3A_1063 = tpu.vector_load %arg7[%swap3A_1060, %swap3A_1061, %swap3A_1062] {strides = array<i32>} : memref<3x48x512xf32, #tpu.memory_space<vmem>>, vector<16xf32>,
      tpu.vector_store %arg7[%swap3A_1060, %swap3A_1061, %swap3A_1062], %get3A_148 {strides = array<i32>} : memref<3x48x512xf32, #tpu.memory_space<vmem>>, vector<16xf32>,
      %swap3A_1064 = arith.constant 1 : i32
      %swap3A_1065 = arith.index_cast %swap3A_1064 : i32 to index
      %swap3A_1066 = arith.index_cast %scan3A_691 : i32 to index
      %swap3A_1067 = arith.constant 272 : index
      %swap3A_1068 = tpu.vector_load %arg7[%swap3A_1065, %swap3A_1066, %swap3A_1067] {strides = array<i32>} : memref<3x48x512xf32, #tpu.memory_space<vmem>>, vector<16xf32>,
      tpu.vector_store %arg7[%swap3A_1065, %swap3A_1066, %swap3A_1067], %get3A_155 {strides = array<i32>} : memref<3x48x512xf32, #tpu.memory_space<vmem>>, vector<16xf32>,
      %swap3A_1069 = arith.constant 1 : i32
      %swap3A_1070 = arith.index_cast %swap3A_1069 : i32 to index
      %swap3A_1071 = arith.index_cast %scan3A_691 : i32 to index
      %swap3A_1072 = arith.constant 288 : index
      %swap3A_1073 = tpu.vector_load %arg7[%swap3A_1070, %swap3A_1071, %swap3A_1072] {strides = array<i32>} : memref<3x48x512xf32, #tpu.memory_space<vmem>>, vector<16xf32>,
      tpu.vector_store %arg7[%swap3A_1070, %swap3A_1071, %swap3A_1072], %get3A_162 {strides = array<i32>} : memref<3x48x512xf32, #tpu.memory_space<vmem>>, vector<16xf32>,
      %swap3A_1074 = arith.constant 1 : i32
      %swap3A_1075 = arith.index_cast %swap3A_1074 : i32 to index
      %swap3A_1076 = arith.index_cast %scan3A_691 : i32 to index
      %swap3A_1077 = arith.constant 304 : index
      %swap3A_1078 = tpu.vector_load %arg7[%swap3A_1075, %swap3A_1076, %swap3A_1077] {strides = array<i32>} : memref<3x48x512xf32, #tpu.memory_space<vmem>>, vector<16xf32>,
      tpu.vector_store %arg7[%swap3A_1075, %swap3A_1076, %swap3A_1077], %get3A_169 {strides = array<i32>} : memref<3x48x512xf32, #tpu.memory_space<vmem>>, vector<16xf32>,
      %swap3A_1079 = arith.constant 1 : i32
      %swap3A_1080 = arith.index_cast %swap3A_1079 : i32 to index
      %swap3A_1081 = arith.index_cast %scan3A_691 : i32 to index
      %swap3A_1082 = arith.constant 320 : index
      %swap3A_1083 = tpu.vector_load %arg7[%swap3A_1080, %swap3A_1081, %swap3A_1082] {strides = array<i32>} : memref<3x48x512xf32, #tpu.memory_space<vmem>>, vector<16xf32>,
      tpu.vector_store %arg7[%swap3A_1080, %swap3A_1081, %swap3A_1082], %get3A_176 {strides = array<i32>} : memref<3x48x512xf32, #tpu.memory_space<vmem>>, vector<16xf32>,
      %swap3A_1084 = arith.constant 1 : i32
      %swap3A_1085 = arith.index_cast %swap3A_1084 : i32 to index
      %swap3A_1086 = arith.index_cast %scan3A_691 : i32 to index
      %swap3A_1087 = arith.constant 336 : index
      %swap3A_1088 = tpu.vector_load %arg7[%swap3A_1085, %swap3A_1086, %swap3A_1087] {strides = array<i32>} : memref<3x48x512xf32, #tpu.memory_space<vmem>>, vector<16xf32>,
      tpu.vector_store %arg7[%swap3A_1085, %swap3A_1086, %swap3A_1087], %get3A_183 {strides = array<i32>} : memref<3x48x512xf32, #tpu.memory_space<vmem>>, vector<16xf32>,
      %swap3A_1089 = arith.constant 1 : i32
      %swap3A_1090 = arith.index_cast %swap3A_1089 : i32 to index
      %swap3A_1091 = arith.index_cast %scan3A_691 : i32 to index
      %swap3A_1092 = arith.constant 352 : index
      %swap3A_1093 = tpu.vector_load %arg7[%swap3A_1090, %swap3A_1091, %swap3A_1092] {strides = array<i32>} : memref<3x48x512xf32, #tpu.memory_space<vmem>>, vector<16xf32>,
      tpu.vector_store %arg7[%swap3A_1090, %swap3A_1091, %swap3A_1092], %get3A_190 {strides = array<i32>} : memref<3x48x512xf32, #tpu.memory_space<vmem>>, vector<16xf32>,
      %swap3A_1094 = arith.constant 1 : i32
      %swap3A_1095 = arith.index_cast %swap3A_1094 : i32 to index
      %swap3A_1096 = arith.index_cast %scan3A_691 : i32 to index
      %swap3A_1097 = arith.constant 368 : index
      %swap3A_1098 = tpu.vector_load %arg7[%swap3A_1095, %swap3A_1096, %swap3A_1097] {strides = array<i32>} : memref<3x48x512xf32, #tpu.memory_space<vmem>>, vector<16xf32>,
      tpu.vector_store %arg7[%swap3A_1095, %swap3A_1096, %swap3A_1097], %get3A_197 {strides = array<i32>} : memref<3x48x512xf32, #tpu.memory_space<vmem>>, vector<16xf32>,
      %swap3A_1099 = arith.constant 1 : i32
      %swap3A_1100 = arith.index_cast %swap3A_1099 : i32 to index
      %swap3A_1101 = arith.index_cast %scan3A_691 : i32 to index
      %swap3A_1102 = arith.constant 384 : index
      %swap3A_1103 = tpu.vector_load %arg7[%swap3A_1100, %swap3A_1101, %swap3A_1102] {strides = array<i32>} : memref<3x48x512xf32, #tpu.memory_space<vmem>>, vector<16xf32>,
      tpu.vector_store %arg7[%swap3A_1100, %swap3A_1101, %swap3A_1102], %get3A_204 {strides = array<i32>} : memref<3x48x512xf32, #tpu.memory_space<vmem>>, vector<16xf32>,
      %swap3A_1104 = arith.constant 1 : i32
      %swap3A_1105 = arith.index_cast %swap3A_1104 : i32 to index
      %swap3A_1106 = arith.index_cast %scan3A_691 : i32 to index
      %swap3A_1107 = arith.constant 400 : index
      %swap3A_1108 = tpu.vector_load %arg7[%swap3A_1105, %swap3A_1106, %swap3A_1107] {strides = array<i32>} : memref<3x48x512xf32, #tpu.memory_space<vmem>>, vector<16xf32>,
      tpu.vector_store %arg7[%swap3A_1105, %swap3A_1106, %swap3A_1107], %get3A_211 {strides = array<i32>} : memref<3x48x512xf32, #tpu.memory_space<vmem>>, vector<16xf32>,
      %swap3A_1109 = arith.constant 1 : i32
      %swap3A_1110 = arith.index_cast %swap3A_1109 : i32 to index
      %swap3A_1111 = arith.index_cast %scan3A_691 : i32 to index
      %swap3A_1112 = arith.constant 416 : index
      %swap3A_1113 = tpu.vector_load %arg7[%swap3A_1110, %swap3A_1111, %swap3A_1112] {strides = array<i32>} : memref<3x48x512xf32, #tpu.memory_space<vmem>>, vector<16xf32>,
      tpu.vector_store %arg7[%swap3A_1110, %swap3A_1111, %swap3A_1112], %get3A_218 {strides = array<i32>} : memref<3x48x512xf32, #tpu.memory_space<vmem>>, vector<16xf32>,
      %swap3A_1114 = arith.constant 1 : i32
      %swap3A_1115 = arith.index_cast %swap3A_1114 : i32 to index
      %swap3A_1116 = arith.index_cast %scan3A_691 : i32 to index
      %swap3A_1117 = arith.constant 432 : index
      %swap3A_1118 = tpu.vector_load %arg7[%swap3A_1115, %swap3A_1116, %swap3A_1117] {strides = array<i32>} : memref<3x48x512xf32, #tpu.memory_space<vmem>>, vector<16xf32>,
      tpu.vector_store %arg7[%swap3A_1115, %swap3A_1116, %swap3A_1117], %get3A_225 {strides = array<i32>} : memref<3x48x512xf32, #tpu.memory_space<vmem>>, vector<16xf32>,
      %swap3A_1119 = arith.constant 1 : i32
      %swap3A_1120 = arith.index_cast %swap3A_1119 : i32 to index
      %swap3A_1121 = arith.index_cast %scan3A_691 : i32 to index
      %swap3A_1122 = arith.constant 448 : index
      %swap3A_1123 = tpu.vector_load %arg7[%swap3A_1120, %swap3A_1121, %swap3A_1122] {strides = array<i32>} : memref<3x48x512xf32, #tpu.memory_space<vmem>>, vector<16xf32>,
      tpu.vector_store %arg7[%swap3A_1120, %swap3A_1121, %swap3A_1122], %get3A_232 {strides = array<i32>} : memref<3x48x512xf32, #tpu.memory_space<vmem>>, vector<16xf32>,
      %swap3A_1124 = arith.constant 1 : i32
      %swap3A_1125 = arith.index_cast %swap3A_1124 : i32 to index
      %swap3A_1126 = arith.index_cast %scan3A_691 : i32 to index
      %swap3A_1127 = arith.constant 464 : index
      %swap3A_1128 = tpu.vector_load %arg7[%swap3A_1125, %swap3A_1126, %swap3A_1127] {strides = array<i32>} : memref<3x48x512xf32, #tpu.memory_space<vmem>>, vector<16xf32>,
      tpu.vector_store %arg7[%swap3A_1125, %swap3A_1126, %swap3A_1127], %get3A_239 {strides = array<i32>} : memref<3x48x512xf32, #tpu.memory_space<vmem>>, vector<16xf32>,
      %swap3A_1129 = arith.constant 1 : i32
      %swap3A_1130 = arith.index_cast %swap3A_1129 : i32 to index
      %swap3A_1131 = arith.index_cast %scan3A_691 : i32 to index
      %swap3A_1132 = arith.constant 480 : index
      %swap3A_1133 = tpu.vector_load %arg7[%swap3A_1130, %swap3A_1131, %swap3A_1132] {strides = array<i32>} : memref<3x48x512xf32, #tpu.memory_space<vmem>>, vector<16xf32>,
      tpu.vector_store %arg7[%swap3A_1130, %swap3A_1131, %swap3A_1132], %get3A_246 {strides = array<i32>} : memref<3x48x512xf32, #tpu.memory_space<vmem>>, vector<16xf32>,
      %swap3A_1134 = arith.constant 1 : i32
      %swap3A_1135 = arith.index_cast %swap3A_1134 : i32 to index
      %swap3A_1136 = arith.index_cast %scan3A_691 : i32 to index
      %swap3A_1137 = arith.constant 496 : index
      %swap3A_1138 = tpu.vector_load %arg7[%swap3A_1135, %swap3A_1136, %swap3A_1137] {strides = array<i32>} : memref<3x48x512xf32, #tpu.memory_space<vmem>>, vector<16xf32>,
      tpu.vector_store %arg7[%swap3A_1135, %swap3A_1136, %swap3A_1137], %get3A_253 {strides = array<i32>} : memref<3x48x512xf32, #tpu.memory_space<vmem>>, vector<16xf32>,
      %swap3A_1139 = arith.constant 2 : i32
      %swap3A_1140 = arith.index_cast %swap3A_1139 : i32 to index
      %swap3A_1141 = arith.index_cast %scan3A_691 : i32 to index
      %swap3A_1142 = arith.constant 256 : index
      %swap3A_1143 = tpu.vector_load %arg7[%swap3A_1140, %swap3A_1141, %swap3A_1142] {strides = array<i32>} : memref<3x48x512xf32, #tpu.memory_space<vmem>>, vector<16xf32>,
      tpu.vector_store %arg7[%swap3A_1140, %swap3A_1141, %swap3A_1142], %get3A_260 {strides = array<i32>} : memref<3x48x512xf32, #tpu.memory_space<vmem>>, vector<16xf32>,
      %swap3A_1144 = arith.constant 2 : i32
      %swap3A_1145 = arith.index_cast %swap3A_1144 : i32 to index
      %swap3A_1146 = arith.index_cast %scan3A_691 : i32 to index
      %swap3A_1147 = arith.constant 272 : index
      %swap3A_1148 = tpu.vector_load %arg7[%swap3A_1145, %swap3A_1146, %swap3A_1147] {strides = array<i32>} : memref<3x48x512xf32, #tpu.memory_space<vmem>>, vector<16xf32>,
      tpu.vector_store %arg7[%swap3A_1145, %swap3A_1146, %swap3A_1147], %get3A_267 {strides = array<i32>} : memref<3x48x512xf32, #tpu.memory_space<vmem>>, vector<16xf32>,
      %swap3A_1149 = arith.constant 2 : i32
      %swap3A_1150 = arith.index_cast %swap3A_1149 : i32 to index
      %swap3A_1151 = arith.index_cast %scan3A_691 : i32 to index
      %swap3A_1152 = arith.constant 288 : index
      %swap3A_1153 = tpu.vector_load %arg7[%swap3A_1150, %swap3A_1151, %swap3A_1152] {strides = array<i32>} : memref<3x48x512xf32, #tpu.memory_space<vmem>>, vector<16xf32>,
      tpu.vector_store %arg7[%swap3A_1150, %swap3A_1151, %swap3A_1152], %get3A_274 {strides = array<i32>} : memref<3x48x512xf32, #tpu.memory_space<vmem>>, vector<16xf32>,
      %swap3A_1154 = arith.constant 2 : i32
      %swap3A_1155 = arith.index_cast %swap3A_1154 : i32 to index
      %swap3A_1156 = arith.index_cast %scan3A_691 : i32 to index
      %swap3A_1157 = arith.constant 304 : index
      %swap3A_1158 = tpu.vector_load %arg7[%swap3A_1155, %swap3A_1156, %swap3A_1157] {strides = array<i32>} : memref<3x48x512xf32, #tpu.memory_space<vmem>>, vector<16xf32>,
      tpu.vector_store %arg7[%swap3A_1155, %swap3A_1156, %swap3A_1157], %get3A_281 {strides = array<i32>} : memref<3x48x512xf32, #tpu.memory_space<vmem>>, vector<16xf32>,
      %swap3A_1159 = arith.constant 2 : i32
      %swap3A_1160 = arith.index_cast %swap3A_1159 : i32 to index
      %swap3A_1161 = arith.index_cast %scan3A_691 : i32 to index
      %swap3A_1162 = arith.constant 320 : index
      %swap3A_1163 = tpu.vector_load %arg7[%swap3A_1160, %swap3A_1161, %swap3A_1162] {strides = array<i32>} : memref<3x48x512xf32, #tpu.memory_space<vmem>>, vector<16xf32>,
      tpu.vector_store %arg7[%swap3A_1160, %swap3A_1161, %swap3A_1162], %get3A_288 {strides = array<i32>} : memref<3x48x512xf32, #tpu.memory_space<vmem>>, vector<16xf32>,
      %swap3A_1164 = arith.constant 2 : i32
      %swap3A_1165 = arith.index_cast %swap3A_1164 : i32 to index
      %swap3A_1166 = arith.index_cast %scan3A_691 : i32 to index
      %swap3A_1167 = arith.constant 336 : index
      %swap3A_1168 = tpu.vector_load %arg7[%swap3A_1165, %swap3A_1166, %swap3A_1167] {strides = array<i32>} : memref<3x48x512xf32, #tpu.memory_space<vmem>>, vector<16xf32>,
      tpu.vector_store %arg7[%swap3A_1165, %swap3A_1166, %swap3A_1167], %get3A_295 {strides = array<i32>} : memref<3x48x512xf32, #tpu.memory_space<vmem>>, vector<16xf32>,
      %swap3A_1169 = arith.constant 2 : i32
      %swap3A_1170 = arith.index_cast %swap3A_1169 : i32 to index
      %swap3A_1171 = arith.index_cast %scan3A_691 : i32 to index
      %swap3A_1172 = arith.constant 352 : index
      %swap3A_1173 = tpu.vector_load %arg7[%swap3A_1170, %swap3A_1171, %swap3A_1172] {strides = array<i32>} : memref<3x48x512xf32, #tpu.memory_space<vmem>>, vector<16xf32>,
      tpu.vector_store %arg7[%swap3A_1170, %swap3A_1171, %swap3A_1172], %get3A_302 {strides = array<i32>} : memref<3x48x512xf32, #tpu.memory_space<vmem>>, vector<16xf32>,
      %swap3A_1174 = arith.constant 2 : i32
      %swap3A_1175 = arith.index_cast %swap3A_1174 : i32 to index
      %swap3A_1176 = arith.index_cast %scan3A_691 : i32 to index
      %swap3A_1177 = arith.constant 368 : index
      %swap3A_1178 = tpu.vector_load %arg7[%swap3A_1175, %swap3A_1176, %swap3A_1177] {strides = array<i32>} : memref<3x48x512xf32, #tpu.memory_space<vmem>>, vector<16xf32>,
      tpu.vector_store %arg7[%swap3A_1175, %swap3A_1176, %swap3A_1177], %get3A_309 {strides = array<i32>} : memref<3x48x512xf32, #tpu.memory_space<vmem>>, vector<16xf32>,
      %swap3A_1179 = arith.constant 2 : i32
      %swap3A_1180 = arith.index_cast %swap3A_1179 : i32 to index
      %swap3A_1181 = arith.index_cast %scan3A_691 : i32 to index
      %swap3A_1182 = arith.constant 384 : index
      %swap3A_1183 = tpu.vector_load %arg7[%swap3A_1180, %swap3A_1181, %swap3A_1182] {strides = array<i32>} : memref<3x48x512xf32, #tpu.memory_space<vmem>>, vector<16xf32>,
      tpu.vector_store %arg7[%swap3A_1180, %swap3A_1181, %swap3A_1182], %get3A_316 {strides = array<i32>} : memref<3x48x512xf32, #tpu.memory_space<vmem>>, vector<16xf32>,
      %swap3A_1184 = arith.constant 2 : i32
      %swap3A_1185 = arith.index_cast %swap3A_1184 : i32 to index
      %swap3A_1186 = arith.index_cast %scan3A_691 : i32 to index
      %swap3A_1187 = arith.constant 400 : index
      %swap3A_1188 = tpu.vector_load %arg7[%swap3A_1185, %swap3A_1186, %swap3A_1187] {strides = array<i32>} : memref<3x48x512xf32, #tpu.memory_space<vmem>>, vector<16xf32>,
      tpu.vector_store %arg7[%swap3A_1185, %swap3A_1186, %swap3A_1187], %get3A_323 {strides = array<i32>} : memref<3x48x512xf32, #tpu.memory_space<vmem>>, vector<16xf32>,
      %swap3A_1189 = arith.constant 2 : i32
      %swap3A_1190 = arith.index_cast %swap3A_1189 : i32 to index
      %swap3A_1191 = arith.index_cast %scan3A_691 : i32 to index
      %swap3A_1192 = arith.constant 416 : index
      %swap3A_1193 = tpu.vector_load %arg7[%swap3A_1190, %swap3A_1191, %swap3A_1192] {strides = array<i32>} : memref<3x48x512xf32, #tpu.memory_space<vmem>>, vector<16xf32>,
      tpu.vector_store %arg7[%swap3A_1190, %swap3A_1191, %swap3A_1192], %get3A_330 {strides = array<i32>} : memref<3x48x512xf32, #tpu.memory_space<vmem>>, vector<16xf32>,
      %swap3A_1194 = arith.constant 2 : i32
      %swap3A_1195 = arith.index_cast %swap3A_1194 : i32 to index
      %swap3A_1196 = arith.index_cast %scan3A_691 : i32 to index
      %swap3A_1197 = arith.constant 432 : index
      %swap3A_1198 = tpu.vector_load %arg7[%swap3A_1195, %swap3A_1196, %swap3A_1197] {strides = array<i32>} : memref<3x48x512xf32, #tpu.memory_space<vmem>>, vector<16xf32>,
      tpu.vector_store %arg7[%swap3A_1195, %swap3A_1196, %swap3A_1197], %get3A_337 {strides = array<i32>} : memref<3x48x512xf32, #tpu.memory_space<vmem>>, vector<16xf32>,
      %swap3A_1199 = arith.constant 2 : i32
      %swap3A_1200 = arith.index_cast %swap3A_1199 : i32 to index
      %swap3A_1201 = arith.index_cast %scan3A_691 : i32 to index
      %swap3A_1202 = arith.constant 448 : index
      %swap3A_1203 = tpu.vector_load %arg7[%swap3A_1200, %swap3A_1201, %swap3A_1202] {strides = array<i32>} : memref<3x48x512xf32, #tpu.memory_space<vmem>>, vector<16xf32>,
      tpu.vector_store %arg7[%swap3A_1200, %swap3A_1201, %swap3A_1202], %get3A_344 {strides = array<i32>} : memref<3x48x512xf32, #tpu.memory_space<vmem>>, vector<16xf32>,
      %swap3A_1204 = arith.constant 2 : i32
      %swap3A_1205 = arith.index_cast %swap3A_1204 : i32 to index
      %swap3A_1206 = arith.index_cast %scan3A_691 : i32 to index
      %swap3A_1207 = arith.constant 464 : index
      %swap3A_1208 = tpu.vector_load %arg7[%swap3A_1205, %swap3A_1206, %swap3A_1207] {strides = array<i32>} : memref<3x48x512xf32, #tpu.memory_space<vmem>>, vector<16xf32>,
      tpu.vector_store %arg7[%swap3A_1205, %swap3A_1206, %swap3A_1207], %get3A_351 {strides = array<i32>} : memref<3x48x512xf32, #tpu.memory_space<vmem>>, vector<16xf32>,
      %swap3A_1209 = arith.constant 2 : i32
      %swap3A_1210 = arith.index_cast %swap3A_1209 : i32 to index
      %swap3A_1211 = arith.index_cast %scan3A_691 : i32 to index
      %swap3A_1212 = arith.constant 480 : index
      %swap3A_1213 = tpu.vector_load %arg7[%swap3A_1210, %swap3A_1211, %swap3A_1212] {strides = array<i32>} : memref<3x48x512xf32, #tpu.memory_space<vmem>>, vector<16xf32>,
      tpu.vector_store %arg7[%swap3A_1210, %swap3A_1211, %swap3A_1212], %get3A_358 {strides = array<i32>} : memref<3x48x512xf32, #tpu.memory_space<vmem>>, vector<16xf32>,
      %swap3A_1214 = arith.constant 2 : i32
      %swap3A_1215 = arith.index_cast %swap3A_1214 : i32 to index
      %swap3A_1216 = arith.index_cast %scan3A_691 : i32 to index
      %swap3A_1217 = arith.constant 496 : index
      %swap3A_1218 = tpu.vector_load %arg7[%swap3A_1215, %swap3A_1216, %swap3A_1217] {strides = array<i32>} : memref<3x48x512xf32, #tpu.memory_space<vmem>>, vector<16xf32>,
      tpu.vector_store %arg7[%swap3A_1215, %swap3A_1216, %swap3A_1217], %get3A_365 {strides = array<i32>} : memref<3x48x512xf32, #tpu.memory_space<vmem>>, vector<16xf32>,
    }
    %scan3A_370 = arith.constant 48 : i32
    %mul3A_371 = arith.constant 3 : i32
    %mul3A_372 = arith.muli %select_n3A, %mul3A_371 : i32
    %mul3A_373 = arith.constant 16 : i32
    %mul3A_374 = arith.muli %select_n3A_30, %mul3A_373 : i32
    %add3A_375 = arith.constant 0 : i32
    %add3A_376 = arith.addi %mul3A_374, %add3A_375 : i32
    %dma_start3A = arith.constant 0 : i32
    %dma_start3A_377 = arith.constant 0 : i32
    %dma_start3A_378 = tpu.memref_slice %arg4[%add3A_376, %mul3A_372, %dma_start3A, %dma_start3A_377] : memref<32x48x48x512xf32, #tpu.memory_space<hbm>> -> memref<1x3x48x512xf32, #tpu.memory_space<hbm>>
    %dma_start3A_379 = tpu.memref_squeeze %dma_start3A_378 : memref<1x3x48x512xf32, #tpu.memory_space<hbm>> -> memref<3x48x512xf32, #tpu.memory_space<hbm>>
    %dma_start3A_380 = arith.constant 0 : i32
    %dma_start3A_381 = arith.constant 0 : i32
    %dma_start3A_382 = tpu.memref_slice %arg4[%add3A_376, %mul3A_372, %dma_start3A_380, %dma_start3A_381] : memref<32x48x48x512xf32, #tpu.memory_space<hbm>> -> memref<1x3x48x512xf32, #tpu.memory_space<hbm>>
    %dma_start3A_383 = tpu.memref_squeeze %dma_start3A_382 : memref<1x3x48x512xf32, #tpu.memory_space<hbm>> -> memref<3x48x512xf32, #tpu.memory_space<hbm>>
    tpu.enqueue_dma source(%arg7 : memref<3x48x512xf32, #tpu.memory_space<vmem>>) target(%dma_start3A_383 : memref<3x48x512xf32, #tpu.memory_space<hbm>>) target_semaphore(%arg8 : memref<!tpu.dma_semaphore, #tpu.memory_space<semaphore_mem>>)
    %mul3A_384 = arith.constant 16 : i32
    %mul3A_385 = arith.muli %select_n3A_30, %mul3A_384 : i32
    %add3A_386 = arith.constant 1 : i32
    %add3A_387 = arith.addi %mul3A_385, %add3A_386 : i32
    %dma_start3A_388 = arith.constant 0 : i32
    %dma_start3A_389 = arith.constant 0 : i32
    %dma_start3A_390 = tpu.memref_slice %arg4[%add3A_387, %mul3A_372, %dma_start3A_388, %dma_start3A_389] : memref<32x48x48x512xf32, #tpu.memory_space<hbm>> -> memref<1x3x48x512xf32, #tpu.memory_space<hbm>>
    %dma_start3A_391 = tpu.memref_squeeze %dma_start3A_390 : memref<1x3x48x512xf32, #tpu.memory_space<hbm>> -> memref<3x48x512xf32, #tpu.memory_space<hbm>>
    %dma_start3A_392 = arith.constant 0 : i32
    %dma_start3A_393 = arith.constant 0 : i32
    %dma_start3A_394 = tpu.memref_slice %arg4[%add3A_387, %mul3A_372, %dma_start3A_392, %dma_start3A_393] : memref<32x48x48x512xf32, #tpu.memory_space<hbm>> -> memref<1x3x48x512xf32, #tpu.memory_space<hbm>>
    %dma_start3A_395 = tpu.memref_squeeze %dma_start3A_394 : memref<1x3x48x512xf32, #tpu.memory_space<hbm>> -> memref<3x48x512xf32, #tpu.memory_space<hbm>>
    tpu.enqueue_dma source(%arg7 : memref<3x48x512xf32, #tpu.memory_space<vmem>>) target(%dma_start3A_395 : memref<3x48x512xf32, #tpu.memory_space<hbm>>) target_semaphore(%arg8 : memref<!tpu.dma_semaphore, #tpu.memory_space<semaphore_mem>>)
    %mul3A_396 = arith.constant 16 : i32
    %mul3A_397 = arith.muli %select_n3A_30, %mul3A_396 : i32
    %add3A_398 = arith.constant 2 : i32
    %add3A_399 = arith.addi %mul3A_397, %add3A_398 : i32
    %dma_start3A_400 = arith.constant 0 : i32
    %dma_start3A_401 = arith.constant 0 : i32
    %dma_start3A_402 = tpu.memref_slice %arg4[%add3A_399, %mul3A_372, %dma_start3A_400, %dma_start3A_401] : memref<32x48x48x512xf32, #tpu.memory_space<hbm>> -> memref<1x3x48x512xf32, #tpu.memory_space<hbm>>
    %dma_start3A_403 = tpu.memref_squeeze %dma_start3A_402 : memref<1x3x48x512xf32, #tpu.memory_space<hbm>> -> memref<3x48x512xf32, #tpu.memory_space<hbm>>
    %dma_start3A_404 = arith.constant 0 : i32
    %dma_start3A_405 = arith.constant 0 : i32
    %dma_start3A_406 = tpu.memref_slice %arg4[%add3A_399, %mul3A_372, %dma_start3A_404, %dma_start3A_405] : memref<32x48x48x512xf32, #tpu.memory_space<hbm>> -> memref<1x3x48x512xf32, #tpu.memory_space<hbm>>
    %dma_start3A_407 = tpu.memref_squeeze %dma_start3A_406 : memref<1x3x48x512xf32, #tpu.memory_space<hbm>> -> memref<3x48x512xf32, #tpu.memory_space<hbm>>
    tpu.enqueue_dma source(%arg7 : memref<3x48x512xf32, #tpu.memory_space<vmem>>) target(%dma_start3A_407 : memref<3x48x512xf32, #tpu.memory_space<hbm>>) target_semaphore(%arg8 : memref<!tpu.dma_semaphore, #tpu.memory_space<semaphore_mem>>)
    %mul3A_408 = arith.constant 16 : i32
    %mul3A_409 = arith.muli %select_n3A_30, %mul3A_408 : i32
    %add3A_410 = arith.constant 3 : i32
    %add3A_411 = arith.addi %mul3A_409, %add3A_410 : i32
    %dma_start3A_412 = arith.constant 0 : i32
    %dma_start3A_413 = arith.constant 0 : i32
    %dma_start3A_414 = tpu.memref_slice %arg4[%add3A_411, %mul3A_372, %dma_start3A_412, %dma_start3A_413] : memref<32x48x48x512xf32, #tpu.memory_space<hbm>> -> memref<1x3x48x512xf32, #tpu.memory_space<hbm>>
    %dma_start3A_415 = tpu.memref_squeeze %dma_start3A_414 : memref<1x3x48x512xf32, #tpu.memory_space<hbm>> -> memref<3x48x512xf32, #tpu.memory_space<hbm>>
    %dma_start3A_416 = arith.constant 0 : i32
    %dma_start3A_417 = arith.constant 0 : i32
    %dma_start3A_418 = tpu.memref_slice %arg4[%add3A_411, %mul3A_372, %dma_start3A_416, %dma_start3A_417] : memref<32x48x48x512xf32, #tpu.memory_space<hbm>> -> memref<1x3x48x512xf32, #tpu.memory_space<hbm>>
    %dma_start3A_419 = tpu.memref_squeeze %dma_start3A_418 : memref<1x3x48x512xf32, #tpu.memory_space<hbm>> -> memref<3x48x512xf32, #tpu.memory_space<hbm>>
    tpu.enqueue_dma source(%arg7 : memref<3x48x512xf32, #tpu.memory_space<vmem>>) target(%dma_start3A_419 : memref<3x48x512xf32, #tpu.memory_space<hbm>>) target_semaphore(%arg8 : memref<!tpu.dma_semaphore, #tpu.memory_space<semaphore_mem>>)
    %mul3A_420 = arith.constant 16 : i32
    %mul3A_421 = arith.muli %select_n3A_30, %mul3A_420 : i32
    %add3A_422 = arith.constant 4 : i32
    %add3A_423 = arith.addi %mul3A_421, %add3A_422 : i32
    %dma_start3A_424 = arith.constant 0 : i32
    %dma_start3A_425 = arith.constant 0 : i32
    %dma_start3A_426 = tpu.memref_slice %arg4[%add3A_423, %mul3A_372, %dma_start3A_424, %dma_start3A_425] : memref<32x48x48x512xf32, #tpu.memory_space<hbm>> -> memref<1x3x48x512xf32, #tpu.memory_space<hbm>>
    %dma_start3A_427 = tpu.memref_squeeze %dma_start3A_426 : memref<1x3x48x512xf32, #tpu.memory_space<hbm>> -> memref<3x48x512xf32, #tpu.memory_space<hbm>>
    %dma_start3A_428 = arith.constant 0 : i32
    %dma_start3A_429 = arith.constant 0 : i32
    %dma_start3A_430 = tpu.memref_slice %arg4[%add3A_423, %mul3A_372, %dma_start3A_428, %dma_start3A_429] : memref<32x48x48x512xf32, #tpu.memory_space<hbm>> -> memref<1x3x48x512xf32, #tpu.memory_space<hbm>>
    %dma_start3A_431 = tpu.memref_squeeze %dma_start3A_430 : memref<1x3x48x512xf32, #tpu.memory_space<hbm>> -> memref<3x48x512xf32, #tpu.memory_space<hbm>>
    tpu.enqueue_dma source(%arg7 : memref<3x48x512xf32, #tpu.memory_space<vmem>>) target(%dma_start3A_431 : memref<3x48x512xf32, #tpu.memory_space<hbm>>) target_semaphore(%arg8 : memref<!tpu.dma_semaphore, #tpu.memory_space<semaphore_mem>>)
    %mul3A_432 = arith.constant 16 : i32
    %mul3A_433 = arith.muli %select_n3A_30, %mul3A_432 : i32
    %add3A_434 = arith.constant 5 : i32
    %add3A_435 = arith.addi %mul3A_433, %add3A_434 : i32
    %dma_start3A_436 = arith.constant 0 : i32
    %dma_start3A_437 = arith.constant 0 : i32
    %dma_start3A_438 = tpu.memref_slice %arg4[%add3A_435, %mul3A_372, %dma_start3A_436, %dma_start3A_437] : memref<32x48x48x512xf32, #tpu.memory_space<hbm>> -> memref<1x3x48x512xf32, #tpu.memory_space<hbm>>
    %dma_start3A_439 = tpu.memref_squeeze %dma_start3A_438 : memref<1x3x48x512xf32, #tpu.memory_space<hbm>> -> memref<3x48x512xf32, #tpu.memory_space<hbm>>
    %dma_start3A_440 = arith.constant 0 : i32
    %dma_start3A_441 = arith.constant 0 : i32
    %dma_start3A_442 = tpu.memref_slice %arg4[%add3A_435, %mul3A_372, %dma_start3A_440, %dma_start3A_441] : memref<32x48x48x512xf32, #tpu.memory_space<hbm>> -> memref<1x3x48x512xf32, #tpu.memory_space<hbm>>
    %dma_start3A_443 = tpu.memref_squeeze %dma_start3A_442 : memref<1x3x48x512xf32, #tpu.memory_space<hbm>> -> memref<3x48x512xf32, #tpu.memory_space<hbm>>
    tpu.enqueue_dma source(%arg7 : memref<3x48x512xf32, #tpu.memory_space<vmem>>) target(%dma_start3A_443 : memref<3x48x512xf32, #tpu.memory_space<hbm>>) target_semaphore(%arg8 : memref<!tpu.dma_semaphore, #tpu.memory_space<semaphore_mem>>)
    %mul3A_444 = arith.constant 16 : i32
    %mul3A_445 = arith.muli %select_n3A_30, %mul3A_444 : i32
    %add3A_446 = arith.constant 6 : i32
    %add3A_447 = arith.addi %mul3A_445, %add3A_446 : i32
    %dma_start3A_448 = arith.constant 0 : i32
    %dma_start3A_449 = arith.constant 0 : i32
    %dma_start3A_450 = tpu.memref_slice %arg4[%add3A_447, %mul3A_372, %dma_start3A_448, %dma_start3A_449] : memref<32x48x48x512xf32, #tpu.memory_space<hbm>> -> memref<1x3x48x512xf32, #tpu.memory_space<hbm>>
    %dma_start3A_451 = tpu.memref_squeeze %dma_start3A_450 : memref<1x3x48x512xf32, #tpu.memory_space<hbm>> -> memref<3x48x512xf32, #tpu.memory_space<hbm>>
    %dma_start3A_452 = arith.constant 0 : i32
    %dma_start3A_453 = arith.constant 0 : i32
    %dma_start3A_454 = tpu.memref_slice %arg4[%add3A_447, %mul3A_372, %dma_start3A_452, %dma_start3A_453] : memref<32x48x48x512xf32, #tpu.memory_space<hbm>> -> memref<1x3x48x512xf32, #tpu.memory_space<hbm>>
    %dma_start3A_455 = tpu.memref_squeeze %dma_start3A_454 : memref<1x3x48x512xf32, #tpu.memory_space<hbm>> -> memref<3x48x512xf32, #tpu.memory_space<hbm>>
    tpu.enqueue_dma source(%arg7 : memref<3x48x512xf32, #tpu.memory_space<vmem>>) target(%dma_start3A_455 : memref<3x48x512xf32, #tpu.memory_space<hbm>>) target_semaphore(%arg8 : memref<!tpu.dma_semaphore, #tpu.memory_space<semaphore_mem>>)
    %mul3A_456 = arith.constant 16 : i32
    %mul3A_457 = arith.muli %select_n3A_30, %mul3A_456 : i32
    %add3A_458 = arith.constant 7 : i32
    %add3A_459 = arith.addi %mul3A_457, %add3A_458 : i32
    %dma_start3A_460 = arith.constant 0 : i32
    %dma_start3A_461 = arith.constant 0 : i32
    %dma_start3A_462 = tpu.memref_slice %arg4[%add3A_459, %mul3A_372, %dma_start3A_460, %dma_start3A_461] : memref<32x48x48x512xf32, #tpu.memory_space<hbm>> -> memref<1x3x48x512xf32, #tpu.memory_space<hbm>>
    %dma_start3A_463 = tpu.memref_squeeze %dma_start3A_462 : memref<1x3x48x512xf32, #tpu.memory_space<hbm>> -> memref<3x48x512xf32, #tpu.memory_space<hbm>>
    %dma_start3A_464 = arith.constant 0 : i32
    %dma_start3A_465 = arith.constant 0 : i32
    %dma_start3A_466 = tpu.memref_slice %arg4[%add3A_459, %mul3A_372, %dma_start3A_464, %dma_start3A_465] : memref<32x48x48x512xf32, #tpu.memory_space<hbm>> -> memref<1x3x48x512xf32, #tpu.memory_space<hbm>>
    %dma_start3A_467 = tpu.memref_squeeze %dma_start3A_466 : memref<1x3x48x512xf32, #tpu.memory_space<hbm>> -> memref<3x48x512xf32, #tpu.memory_space<hbm>>
    tpu.enqueue_dma source(%arg7 : memref<3x48x512xf32, #tpu.memory_space<vmem>>) target(%dma_start3A_467 : memref<3x48x512xf32, #tpu.memory_space<hbm>>) target_semaphore(%arg8 : memref<!tpu.dma_semaphore, #tpu.memory_space<semaphore_mem>>)
    %mul3A_468 = arith.constant 16 : i32
    %mul3A_469 = arith.muli %select_n3A_30, %mul3A_468 : i32
    %add3A_470 = arith.constant 8 : i32
    %add3A_471 = arith.addi %mul3A_469, %add3A_470 : i32
    %dma_start3A_472 = arith.constant 0 : i32
    %dma_start3A_473 = arith.constant 0 : i32
    %dma_start3A_474 = tpu.memref_slice %arg4[%add3A_471, %mul3A_372, %dma_start3A_472, %dma_start3A_473] : memref<32x48x48x512xf32, #tpu.memory_space<hbm>> -> memref<1x3x48x512xf32, #tpu.memory_space<hbm>>
    %dma_start3A_475 = tpu.memref_squeeze %dma_start3A_474 : memref<1x3x48x512xf32, #tpu.memory_space<hbm>> -> memref<3x48x512xf32, #tpu.memory_space<hbm>>
    %dma_start3A_476 = arith.constant 0 : i32
    %dma_start3A_477 = arith.constant 0 : i32
    %dma_start3A_478 = tpu.memref_slice %arg4[%add3A_471, %mul3A_372, %dma_start3A_476, %dma_start3A_477] : memref<32x48x48x512xf32, #tpu.memory_space<hbm>> -> memref<1x3x48x512xf32, #tpu.memory_space<hbm>>
    %dma_start3A_479 = tpu.memref_squeeze %dma_start3A_478 : memref<1x3x48x512xf32, #tpu.memory_space<hbm>> -> memref<3x48x512xf32, #tpu.memory_space<hbm>>
    tpu.enqueue_dma source(%arg7 : memref<3x48x512xf32, #tpu.memory_space<vmem>>) target(%dma_start3A_479 : memref<3x48x512xf32, #tpu.memory_space<hbm>>) target_semaphore(%arg8 : memref<!tpu.dma_semaphore, #tpu.memory_space<semaphore_mem>>)
    %mul3A_480 = arith.constant 16 : i32
    %mul3A_481 = arith.muli %select_n3A_30, %mul3A_480 : i32
    %add3A_482 = arith.constant 9 : i32
    %add3A_483 = arith.addi %mul3A_481, %add3A_482 : i32
    %dma_start3A_484 = arith.constant 0 : i32
    %dma_start3A_485 = arith.constant 0 : i32
    %dma_start3A_486 = tpu.memref_slice %arg4[%add3A_483, %mul3A_372, %dma_start3A_484, %dma_start3A_485] : memref<32x48x48x512xf32, #tpu.memory_space<hbm>> -> memref<1x3x48x512xf32, #tpu.memory_space<hbm>>
    %dma_start3A_487 = tpu.memref_squeeze %dma_start3A_486 : memref<1x3x48x512xf32, #tpu.memory_space<hbm>> -> memref<3x48x512xf32, #tpu.memory_space<hbm>>
    %dma_start3A_488 = arith.constant 0 : i32
    %dma_start3A_489 = arith.constant 0 : i32
    %dma_start3A_490 = tpu.memref_slice %arg4[%add3A_483, %mul3A_372, %dma_start3A_488, %dma_start3A_489] : memref<32x48x48x512xf32, #tpu.memory_space<hbm>> -> memref<1x3x48x512xf32, #tpu.memory_space<hbm>>
    %dma_start3A_491 = tpu.memref_squeeze %dma_start3A_490 : memref<1x3x48x512xf32, #tpu.memory_space<hbm>> -> memref<3x48x512xf32, #tpu.memory_space<hbm>>
    tpu.enqueue_dma source(%arg7 : memref<3x48x512xf32, #tpu.memory_space<vmem>>) target(%dma_start3A_491 : memref<3x48x512xf32, #tpu.memory_space<hbm>>) target_semaphore(%arg8 : memref<!tpu.dma_semaphore, #tpu.memory_space<semaphore_mem>>)
    %mul3A_492 = arith.constant 16 : i32
    %mul3A_493 = arith.muli %select_n3A_30, %mul3A_492 : i32
    %add3A_494 = arith.constant 10 : i32
    %add3A_495 = arith.addi %mul3A_493, %add3A_494 : i32
    %dma_start3A_496 = arith.constant 0 : i32
    %dma_start3A_497 = arith.constant 0 : i32
    %dma_start3A_498 = tpu.memref_slice %arg4[%add3A_495, %mul3A_372, %dma_start3A_496, %dma_start3A_497] : memref<32x48x48x512xf32, #tpu.memory_space<hbm>> -> memref<1x3x48x512xf32, #tpu.memory_space<hbm>>
    %dma_start3A_499 = tpu.memref_squeeze %dma_start3A_498 : memref<1x3x48x512xf32, #tpu.memory_space<hbm>> -> memref<3x48x512xf32, #tpu.memory_space<hbm>>
    %dma_start3A_500 = arith.constant 0 : i32
    %dma_start3A_501 = arith.constant 0 : i32
    %dma_start3A_502 = tpu.memref_slice %arg4[%add3A_495, %mul3A_372, %dma_start3A_500, %dma_start3A_501] : memref<32x48x48x512xf32, #tpu.memory_space<hbm>> -> memref<1x3x48x512xf32, #tpu.memory_space<hbm>>
    %dma_start3A_503 = tpu.memref_squeeze %dma_start3A_502 : memref<1x3x48x512xf32, #tpu.memory_space<hbm>> -> memref<3x48x512xf32, #tpu.memory_space<hbm>>
    tpu.enqueue_dma source(%arg7 : memref<3x48x512xf32, #tpu.memory_space<vmem>>) target(%dma_start3A_503 : memref<3x48x512xf32, #tpu.memory_space<hbm>>) target_semaphore(%arg8 : memref<!tpu.dma_semaphore, #tpu.memory_space<semaphore_mem>>)
    %mul3A_504 = arith.constant 16 : i32
    %mul3A_505 = arith.muli %select_n3A_30, %mul3A_504 : i32
    %add3A_506 = arith.constant 11 : i32
    %add3A_507 = arith.addi %mul3A_505, %add3A_506 : i32
    %dma_start3A_508 = arith.constant 0 : i32
    %dma_start3A_509 = arith.constant 0 : i32
    %dma_start3A_510 = tpu.memref_slice %arg4[%add3A_507, %mul3A_372, %dma_start3A_508, %dma_start3A_509] : memref<32x48x48x512xf32, #tpu.memory_space<hbm>> -> memref<1x3x48x512xf32, #tpu.memory_space<hbm>>
    %dma_start3A_511 = tpu.memref_squeeze %dma_start3A_510 : memref<1x3x48x512xf32, #tpu.memory_space<hbm>> -> memref<3x48x512xf32, #tpu.memory_space<hbm>>
    %dma_start3A_512 = arith.constant 0 : i32
    %dma_start3A_513 = arith.constant 0 : i32
    %dma_start3A_514 = tpu.memref_slice %arg4[%add3A_507, %mul3A_372, %dma_start3A_512, %dma_start3A_513] : memref<32x48x48x512xf32, #tpu.memory_space<hbm>> -> memref<1x3x48x512xf32, #tpu.memory_space<hbm>>
    %dma_start3A_515 = tpu.memref_squeeze %dma_start3A_514 : memref<1x3x48x512xf32, #tpu.memory_space<hbm>> -> memref<3x48x512xf32, #tpu.memory_space<hbm>>
    tpu.enqueue_dma source(%arg7 : memref<3x48x512xf32, #tpu.memory_space<vmem>>) target(%dma_start3A_515 : memref<3x48x512xf32, #tpu.memory_space<hbm>>) target_semaphore(%arg8 : memref<!tpu.dma_semaphore, #tpu.memory_space<semaphore_mem>>)
    %mul3A_516 = arith.constant 16 : i32
    %mul3A_517 = arith.muli %select_n3A_30, %mul3A_516 : i32
    %add3A_518 = arith.constant 12 : i32
    %add3A_519 = arith.addi %mul3A_517, %add3A_518 : i32
    %dma_start3A_520 = arith.constant 0 : i32
    %dma_start3A_521 = arith.constant 0 : i32
    %dma_start3A_522 = tpu.memref_slice %arg4[%add3A_519, %mul3A_372, %dma_start3A_520, %dma_start3A_521] : memref<32x48x48x512xf32, #tpu.memory_space<hbm>> -> memref<1x3x48x512xf32, #tpu.memory_space<hbm>>
    %dma_start3A_523 = tpu.memref_squeeze %dma_start3A_522 : memref<1x3x48x512xf32, #tpu.memory_space<hbm>> -> memref<3x48x512xf32, #tpu.memory_space<hbm>>
    %dma_start3A_524 = arith.constant 0 : i32
    %dma_start3A_525 = arith.constant 0 : i32
    %dma_start3A_526 = tpu.memref_slice %arg4[%add3A_519, %mul3A_372, %dma_start3A_524, %dma_start3A_525] : memref<32x48x48x512xf32, #tpu.memory_space<hbm>> -> memref<1x3x48x512xf32, #tpu.memory_space<hbm>>
    %dma_start3A_527 = tpu.memref_squeeze %dma_start3A_526 : memref<1x3x48x512xf32, #tpu.memory_space<hbm>> -> memref<3x48x512xf32, #tpu.memory_space<hbm>>
    tpu.enqueue_dma source(%arg7 : memref<3x48x512xf32, #tpu.memory_space<vmem>>) target(%dma_start3A_527 : memref<3x48x512xf32, #tpu.memory_space<hbm>>) target_semaphore(%arg8 : memref<!tpu.dma_semaphore, #tpu.memory_space<semaphore_mem>>)
    %mul3A_528 = arith.constant 16 : i32
    %mul3A_529 = arith.muli %select_n3A_30, %mul3A_528 : i32
    %add3A_530 = arith.constant 13 : i32
    %add3A_531 = arith.addi %mul3A_529, %add3A_530 : i32
    %dma_start3A_532 = arith.constant 0 : i32
    %dma_start3A_533 = arith.constant 0 : i32
    %dma_start3A_534 = tpu.memref_slice %arg4[%add3A_531, %mul3A_372, %dma_start3A_532, %dma_start3A_533] : memref<32x48x48x512xf32, #tpu.memory_space<hbm>> -> memref<1x3x48x512xf32, #tpu.memory_space<hbm>>
    %dma_start3A_535 = tpu.memref_squeeze %dma_start3A_534 : memref<1x3x48x512xf32, #tpu.memory_space<hbm>> -> memref<3x48x512xf32, #tpu.memory_space<hbm>>
    %dma_start3A_536 = arith.constant 0 : i32
    %dma_start3A_537 = arith.constant 0 : i32
    %dma_start3A_538 = tpu.memref_slice %arg4[%add3A_531, %mul3A_372, %dma_start3A_536, %dma_start3A_537] : memref<32x48x48x512xf32, #tpu.memory_space<hbm>> -> memref<1x3x48x512xf32, #tpu.memory_space<hbm>>
    %dma_start3A_539 = tpu.memref_squeeze %dma_start3A_538 : memref<1x3x48x512xf32, #tpu.memory_space<hbm>> -> memref<3x48x512xf32, #tpu.memory_space<hbm>>
    tpu.enqueue_dma source(%arg7 : memref<3x48x512xf32, #tpu.memory_space<vmem>>) target(%dma_start3A_539 : memref<3x48x512xf32, #tpu.memory_space<hbm>>) target_semaphore(%arg8 : memref<!tpu.dma_semaphore, #tpu.memory_space<semaphore_mem>>)
    %mul3A_540 = arith.constant 16 : i32
    %mul3A_541 = arith.muli %select_n3A_30, %mul3A_540 : i32
    %add3A_542 = arith.constant 14 : i32
    %add3A_543 = arith.addi %mul3A_541, %add3A_542 : i32
    %dma_start3A_544 = arith.constant 0 : i32
    %dma_start3A_545 = arith.constant 0 : i32
    %dma_start3A_546 = tpu.memref_slice %arg4[%add3A_543, %mul3A_372, %dma_start3A_544, %dma_start3A_545] : memref<32x48x48x512xf32, #tpu.memory_space<hbm>> -> memref<1x3x48x512xf32, #tpu.memory_space<hbm>>
    %dma_start3A_547 = tpu.memref_squeeze %dma_start3A_546 : memref<1x3x48x512xf32, #tpu.memory_space<hbm>> -> memref<3x48x512xf32, #tpu.memory_space<hbm>>
    %dma_start3A_548 = arith.constant 0 : i32
    %dma_start3A_549 = arith.constant 0 : i32
    %dma_start3A_550 = tpu.memref_slice %arg4[%add3A_543, %mul3A_372, %dma_start3A_548, %dma_start3A_549] : memref<32x48x48x512xf32, #tpu.memory_space<hbm>> -> memref<1x3x48x512xf32, #tpu.memory_space<hbm>>
    %dma_start3A_551 = tpu.memref_squeeze %dma_start3A_550 : memref<1x3x48x512xf32, #tpu.memory_space<hbm>> -> memref<3x48x512xf32, #tpu.memory_space<hbm>>
    tpu.enqueue_dma source(%arg7 : memref<3x48x512xf32, #tpu.memory_space<vmem>>) target(%dma_start3A_551 : memref<3x48x512xf32, #tpu.memory_space<hbm>>) target_semaphore(%arg8 : memref<!tpu.dma_semaphore, #tpu.memory_space<semaphore_mem>>)
    %mul3A_552 = arith.constant 16 : i32
    %mul3A_553 = arith.muli %select_n3A_30, %mul3A_552 : i32
    %add3A_554 = arith.constant 15 : i32
    %add3A_555 = arith.addi %mul3A_553, %add3A_554 : i32
    %dma_start3A_556 = arith.constant 0 : i32
    %dma_start3A_557 = arith.constant 0 : i32
    %dma_start3A_558 = tpu.memref_slice %arg4[%add3A_555, %mul3A_372, %dma_start3A_556, %dma_start3A_557] : memref<32x48x48x512xf32, #tpu.memory_space<hbm>> -> memref<1x3x48x512xf32, #tpu.memory_space<hbm>>
    %dma_start3A_559 = tpu.memref_squeeze %dma_start3A_558 : memref<1x3x48x512xf32, #tpu.memory_space<hbm>> -> memref<3x48x512xf32, #tpu.memory_space<hbm>>
    %dma_start3A_560 = arith.constant 0 : i32
    %dma_start3A_561 = arith.constant 0 : i32
    %dma_start3A_562 = tpu.memref_slice %arg4[%add3A_555, %mul3A_372, %dma_start3A_560, %dma_start3A_561] : memref<32x48x48x512xf32, #tpu.memory_space<hbm>> -> memref<1x3x48x512xf32, #tpu.memory_space<hbm>>
    %dma_start3A_563 = tpu.memref_squeeze %dma_start3A_562 : memref<1x3x48x512xf32, #tpu.memory_space<hbm>> -> memref<3x48x512xf32, #tpu.memory_space<hbm>>
    tpu.enqueue_dma source(%arg7 : memref<3x48x512xf32, #tpu.memory_space<vmem>>) target(%dma_start3A_563 : memref<3x48x512xf32, #tpu.memory_space<hbm>>) target_semaphore(%arg8 : memref<!tpu.dma_semaphore, #tpu.memory_space<semaphore_mem>>)
    %dma_wait3A = arith.constant 0 : i32
    %dma_wait3A_564 = arith.constant 0 : i32
    %dma_wait3A_565 = tpu.memref_slice %arg4[%add3A_376, %mul3A_372, %dma_wait3A, %dma_wait3A_564] : memref<32x48x48x512xf32, #tpu.memory_space<hbm>> -> memref<1x3x48x512xf32, #tpu.memory_space<hbm>>
    %dma_wait3A_566 = tpu.memref_squeeze %dma_wait3A_565 : memref<1x3x48x512xf32, #tpu.memory_space<hbm>> -> memref<3x48x512xf32, #tpu.memory_space<hbm>>
    %dma_wait3A_567 = arith.constant 0 : i32
    %dma_wait3A_568 = arith.constant 0 : i32
    %dma_wait3A_569 = tpu.memref_slice %arg4[%add3A_376, %mul3A_372, %dma_wait3A_567, %dma_wait3A_568] : memref<32x48x48x512xf32, #tpu.memory_space<hbm>> -> memref<1x3x48x512xf32, #tpu.memory_space<hbm>>
    %dma_wait3A_570 = tpu.memref_squeeze %dma_wait3A_569 : memref<1x3x48x512xf32, #tpu.memory_space<hbm>> -> memref<3x48x512xf32, #tpu.memory_space<hbm>>
    tpu.wait_dma2 semaphore(%arg8 : memref<!tpu.dma_semaphore, #tpu.memory_space<semaphore_mem>>) src(%arg7 : memref<3x48x512xf32, #tpu.memory_space<vmem>>) dst(%dma_wait3A_570 : memref<3x48x512xf32, #tpu.memory_space<hbm>>)
    %dma_wait3A_571 = arith.constant 0 : i32
    %dma_wait3A_572 = arith.constant 0 : i32
    %dma_wait3A_573 = tpu.memref_slice %arg4[%add3A_387, %mul3A_372, %dma_wait3A_571, %dma_wait3A_572] : memref<32x48x48x512xf32, #tpu.memory_space<hbm>> -> memref<1x3x48x512xf32, #tpu.memory_space<hbm>>
    %dma_wait3A_574 = tpu.memref_squeeze %dma_wait3A_573 : memref<1x3x48x512xf32, #tpu.memory_space<hbm>> -> memref<3x48x512xf32, #tpu.memory_space<hbm>>
    %dma_wait3A_575 = arith.constant 0 : i32
    %dma_wait3A_576 = arith.constant 0 : i32
    %dma_wait3A_577 = tpu.memref_slice %arg4[%add3A_387, %mul3A_372, %dma_wait3A_575, %dma_wait3A_576] : memref<32x48x48x512xf32, #tpu.memory_space<hbm>> -> memref<1x3x48x512xf32, #tpu.memory_space<hbm>>
    %dma_wait3A_578 = tpu.memref_squeeze %dma_wait3A_577 : memref<1x3x48x512xf32, #tpu.memory_space<hbm>> -> memref<3x48x512xf32, #tpu.memory_space<hbm>>
    tpu.wait_dma2 semaphore(%arg8 : memref<!tpu.dma_semaphore, #tpu.memory_space<semaphore_mem>>) src(%arg7 : memref<3x48x512xf32, #tpu.memory_space<vmem>>) dst(%dma_wait3A_578 : memref<3x48x512xf32, #tpu.memory_space<hbm>>)
    %dma_wait3A_579 = arith.constant 0 : i32
    %dma_wait3A_580 = arith.constant 0 : i32
    %dma_wait3A_581 = tpu.memref_slice %arg4[%add3A_399, %mul3A_372, %dma_wait3A_579, %dma_wait3A_580] : memref<32x48x48x512xf32, #tpu.memory_space<hbm>> -> memref<1x3x48x512xf32, #tpu.memory_space<hbm>>
    %dma_wait3A_582 = tpu.memref_squeeze %dma_wait3A_581 : memref<1x3x48x512xf32, #tpu.memory_space<hbm>> -> memref<3x48x512xf32, #tpu.memory_space<hbm>>
    %dma_wait3A_583 = arith.constant 0 : i32
    %dma_wait3A_584 = arith.constant 0 : i32
    %dma_wait3A_585 = tpu.memref_slice %arg4[%add3A_399, %mul3A_372, %dma_wait3A_583, %dma_wait3A_584] : memref<32x48x48x512xf32, #tpu.memory_space<hbm>> -> memref<1x3x48x512xf32, #tpu.memory_space<hbm>>
    %dma_wait3A_586 = tpu.memref_squeeze %dma_wait3A_585 : memref<1x3x48x512xf32, #tpu.memory_space<hbm>> -> memref<3x48x512xf32, #tpu.memory_space<hbm>>
    tpu.wait_dma2 semaphore(%arg8 : memref<!tpu.dma_semaphore, #tpu.memory_space<semaphore_mem>>) src(%arg7 : memref<3x48x512xf32, #tpu.memory_space<vmem>>) dst(%dma_wait3A_586 : memref<3x48x512xf32, #tpu.memory_space<hbm>>)
    %dma_wait3A_587 = arith.constant 0 : i32
    %dma_wait3A_588 = arith.constant 0 : i32
    %dma_wait3A_589 = tpu.memref_slice %arg4[%add3A_411, %mul3A_372, %dma_wait3A_587, %dma_wait3A_588] : memref<32x48x48x512xf32, #tpu.memory_space<hbm>> -> memref<1x3x48x512xf32, #tpu.memory_space<hbm>>
    %dma_wait3A_590 = tpu.memref_squeeze %dma_wait3A_589 : memref<1x3x48x512xf32, #tpu.memory_space<hbm>> -> memref<3x48x512xf32, #tpu.memory_space<hbm>>
    %dma_wait3A_591 = arith.constant 0 : i32
    %dma_wait3A_592 = arith.constant 0 : i32
    %dma_wait3A_593 = tpu.memref_slice %arg4[%add3A_411, %mul3A_372, %dma_wait3A_591, %dma_wait3A_592] : memref<32x48x48x512xf32, #tpu.memory_space<hbm>> -> memref<1x3x48x512xf32, #tpu.memory_space<hbm>>
    %dma_wait3A_594 = tpu.memref_squeeze %dma_wait3A_593 : memref<1x3x48x512xf32, #tpu.memory_space<hbm>> -> memref<3x48x512xf32, #tpu.memory_space<hbm>>
    tpu.wait_dma2 semaphore(%arg8 : memref<!tpu.dma_semaphore, #tpu.memory_space<semaphore_mem>>) src(%arg7 : memref<3x48x512xf32, #tpu.memory_space<vmem>>) dst(%dma_wait3A_594 : memref<3x48x512xf32, #tpu.memory_space<hbm>>)
    %dma_wait3A_595 = arith.constant 0 : i32
    %dma_wait3A_596 = arith.constant 0 : i32
    %dma_wait3A_597 = tpu.memref_slice %arg4[%add3A_423, %mul3A_372, %dma_wait3A_595, %dma_wait3A_596] : memref<32x48x48x512xf32, #tpu.memory_space<hbm>> -> memref<1x3x48x512xf32, #tpu.memory_space<hbm>>
    %dma_wait3A_598 = tpu.memref_squeeze %dma_wait3A_597 : memref<1x3x48x512xf32, #tpu.memory_space<hbm>> -> memref<3x48x512xf32, #tpu.memory_space<hbm>>
    %dma_wait3A_599 = arith.constant 0 : i32
    %dma_wait3A_600 = arith.constant 0 : i32
    %dma_wait3A_601 = tpu.memref_slice %arg4[%add3A_423, %mul3A_372, %dma_wait3A_599, %dma_wait3A_600] : memref<32x48x48x512xf32, #tpu.memory_space<hbm>> -> memref<1x3x48x512xf32, #tpu.memory_space<hbm>>
    %dma_wait3A_602 = tpu.memref_squeeze %dma_wait3A_601 : memref<1x3x48x512xf32, #tpu.memory_space<hbm>> -> memref<3x48x512xf32, #tpu.memory_space<hbm>>
    tpu.wait_dma2 semaphore(%arg8 : memref<!tpu.dma_semaphore, #tpu.memory_space<semaphore_mem>>) src(%arg7 : memref<3x48x512xf32, #tpu.memory_space<vmem>>) dst(%dma_wait3A_602 : memref<3x48x512xf32, #tpu.memory_space<hbm>>)
    %dma_wait3A_603 = arith.constant 0 : i32
    %dma_wait3A_604 = arith.constant 0 : i32
    %dma_wait3A_605 = tpu.memref_slice %arg4[%add3A_435, %mul3A_372, %dma_wait3A_603, %dma_wait3A_604] : memref<32x48x48x512xf32, #tpu.memory_space<hbm>> -> memref<1x3x48x512xf32, #tpu.memory_space<hbm>>
    %dma_wait3A_606 = tpu.memref_squeeze %dma_wait3A_605 : memref<1x3x48x512xf32, #tpu.memory_space<hbm>> -> memref<3x48x512xf32, #tpu.memory_space<hbm>>
    %dma_wait3A_607 = arith.constant 0 : i32
    %dma_wait3A_608 = arith.constant 0 : i32
    %dma_wait3A_609 = tpu.memref_slice %arg4[%add3A_435, %mul3A_372, %dma_wait3A_607, %dma_wait3A_608] : memref<32x48x48x512xf32, #tpu.memory_space<hbm>> -> memref<1x3x48x512xf32, #tpu.memory_space<hbm>>
    %dma_wait3A_610 = tpu.memref_squeeze %dma_wait3A_609 : memref<1x3x48x512xf32, #tpu.memory_space<hbm>> -> memref<3x48x512xf32, #tpu.memory_space<hbm>>
    tpu.wait_dma2 semaphore(%arg8 : memref<!tpu.dma_semaphore, #tpu.memory_space<semaphore_mem>>) src(%arg7 : memref<3x48x512xf32, #tpu.memory_space<vmem>>) dst(%dma_wait3A_610 : memref<3x48x512xf32, #tpu.memory_space<hbm>>)
    %dma_wait3A_611 = arith.constant 0 : i32
    %dma_wait3A_612 = arith.constant 0 : i32
    %dma_wait3A_613 = tpu.memref_slice %arg4[%add3A_447, %mul3A_372, %dma_wait3A_611, %dma_wait3A_612] : memref<32x48x48x512xf32, #tpu.memory_space<hbm>> -> memref<1x3x48x512xf32, #tpu.memory_space<hbm>>
    %dma_wait3A_614 = tpu.memref_squeeze %dma_wait3A_613 : memref<1x3x48x512xf32, #tpu.memory_space<hbm>> -> memref<3x48x512xf32, #tpu.memory_space<hbm>>
    %dma_wait3A_615 = arith.constant 0 : i32
    %dma_wait3A_616 = arith.constant 0 : i32
    %dma_wait3A_617 = tpu.memref_slice %arg4[%add3A_447, %mul3A_372, %dma_wait3A_615, %dma_wait3A_616] : memref<32x48x48x512xf32, #tpu.memory_space<hbm>> -> memref<1x3x48x512xf32, #tpu.memory_space<hbm>>
    %dma_wait3A_618 = tpu.memref_squeeze %dma_wait3A_617 : memref<1x3x48x512xf32, #tpu.memory_space<hbm>> -> memref<3x48x512xf32, #tpu.memory_space<hbm>>
    tpu.wait_dma2 semaphore(%arg8 : memref<!tpu.dma_semaphore, #tpu.memory_space<semaphore_mem>>) src(%arg7 : memref<3x48x512xf32, #tpu.memory_space<vmem>>) dst(%dma_wait3A_618 : memref<3x48x512xf32, #tpu.memory_space<hbm>>)
    %dma_wait3A_619 = arith.constant 0 : i32
    %dma_wait3A_620 = arith.constant 0 : i32
    %dma_wait3A_621 = tpu.memref_slice %arg4[%add3A_459, %mul3A_372, %dma_wait3A_619, %dma_wait3A_620] : memref<32x48x48x512xf32, #tpu.memory_space<hbm>> -> memref<1x3x48x512xf32, #tpu.memory_space<hbm>>
    %dma_wait3A_622 = tpu.memref_squeeze %dma_wait3A_621 : memref<1x3x48x512xf32, #tpu.memory_space<hbm>> -> memref<3x48x512xf32, #tpu.memory_space<hbm>>
    %dma_wait3A_623 = arith.constant 0 : i32
    %dma_wait3A_624 = arith.constant 0 : i32
    %dma_wait3A_625 = tpu.memref_slice %arg4[%add3A_459, %mul3A_372, %dma_wait3A_623, %dma_wait3A_624] : memref<32x48x48x512xf32, #tpu.memory_space<hbm>> -> memref<1x3x48x512xf32, #tpu.memory_space<hbm>>
    %dma_wait3A_626 = tpu.memref_squeeze %dma_wait3A_625 : memref<1x3x48x512xf32, #tpu.memory_space<hbm>> -> memref<3x48x512xf32, #tpu.memory_space<hbm>>
    tpu.wait_dma2 semaphore(%arg8 : memref<!tpu.dma_semaphore, #tpu.memory_space<semaphore_mem>>) src(%arg7 : memref<3x48x512xf32, #tpu.memory_space<vmem>>) dst(%dma_wait3A_626 : memref<3x48x512xf32, #tpu.memory_space<hbm>>)
    %dma_wait3A_627 = arith.constant 0 : i32
    %dma_wait3A_628 = arith.constant 0 : i32
    %dma_wait3A_629 = tpu.memref_slice %arg4[%add3A_471, %mul3A_372, %dma_wait3A_627, %dma_wait3A_628] : memref<32x48x48x512xf32, #tpu.memory_space<hbm>> -> memref<1x3x48x512xf32, #tpu.memory_space<hbm>>
    %dma_wait3A_630 = tpu.memref_squeeze %dma_wait3A_629 : memref<1x3x48x512xf32, #tpu.memory_space<hbm>> -> memref<3x48x512xf32, #tpu.memory_space<hbm>>
    %dma_wait3A_631 = arith.constant 0 : i32
    %dma_wait3A_632 = arith.constant 0 : i32
    %dma_wait3A_633 = tpu.memref_slice %arg4[%add3A_471, %mul3A_372, %dma_wait3A_631, %dma_wait3A_632] : memref<32x48x48x512xf32, #tpu.memory_space<hbm>> -> memref<1x3x48x512xf32, #tpu.memory_space<hbm>>
    %dma_wait3A_634 = tpu.memref_squeeze %dma_wait3A_633 : memref<1x3x48x512xf32, #tpu.memory_space<hbm>> -> memref<3x48x512xf32, #tpu.memory_space<hbm>>
    tpu.wait_dma2 semaphore(%arg8 : memref<!tpu.dma_semaphore, #tpu.memory_space<semaphore_mem>>) src(%arg7 : memref<3x48x512xf32, #tpu.memory_space<vmem>>) dst(%dma_wait3A_634 : memref<3x48x512xf32, #tpu.memory_space<hbm>>)
    %dma_wait3A_635 = arith.constant 0 : i32
    %dma_wait3A_636 = arith.constant 0 : i32
    %dma_wait3A_637 = tpu.memref_slice %arg4[%add3A_483, %mul3A_372, %dma_wait3A_635, %dma_wait3A_636] : memref<32x48x48x512xf32, #tpu.memory_space<hbm>> -> memref<1x3x48x512xf32, #tpu.memory_space<hbm>>
    %dma_wait3A_638 = tpu.memref_squeeze %dma_wait3A_637 : memref<1x3x48x512xf32, #tpu.memory_space<hbm>> -> memref<3x48x512xf32, #tpu.memory_space<hbm>>
    %dma_wait3A_639 = arith.constant 0 : i32
    %dma_wait3A_640 = arith.constant 0 : i32
    %dma_wait3A_641 = tpu.memref_slice %arg4[%add3A_483, %mul3A_372, %dma_wait3A_639, %dma_wait3A_640] : memref<32x48x48x512xf32, #tpu.memory_space<hbm>> -> memref<1x3x48x512xf32, #tpu.memory_space<hbm>>
    %dma_wait3A_642 = tpu.memref_squeeze %dma_wait3A_641 : memref<1x3x48x512xf32, #tpu.memory_space<hbm>> -> memref<3x48x512xf32, #tpu.memory_space<hbm>>
    tpu.wait_dma2 semaphore(%arg8 : memref<!tpu.dma_semaphore, #tpu.memory_space<semaphore_mem>>) src(%arg7 : memref<3x48x512xf32, #tpu.memory_space<vmem>>) dst(%dma_wait3A_642 : memref<3x48x512xf32, #tpu.memory_space<hbm>>)
    %dma_wait3A_643 = arith.constant 0 : i32
    %dma_wait3A_644 = arith.constant 0 : i32
    %dma_wait3A_645 = tpu.memref_slice %arg4[%add3A_495, %mul3A_372, %dma_wait3A_643, %dma_wait3A_644] : memref<32x48x48x512xf32, #tpu.memory_space<hbm>> -> memref<1x3x48x512xf32, #tpu.memory_space<hbm>>
    %dma_wait3A_646 = tpu.memref_squeeze %dma_wait3A_645 : memref<1x3x48x512xf32, #tpu.memory_space<hbm>> -> memref<3x48x512xf32, #tpu.memory_space<hbm>>
    %dma_wait3A_647 = arith.constant 0 : i32
    %dma_wait3A_648 = arith.constant 0 : i32
    %dma_wait3A_649 = tpu.memref_slice %arg4[%add3A_495, %mul3A_372, %dma_wait3A_647, %dma_wait3A_648] : memref<32x48x48x512xf32, #tpu.memory_space<hbm>> -> memref<1x3x48x512xf32, #tpu.memory_space<hbm>>
    %dma_wait3A_650 = tpu.memref_squeeze %dma_wait3A_649 : memref<1x3x48x512xf32, #tpu.memory_space<hbm>> -> memref<3x48x512xf32, #tpu.memory_space<hbm>>
    tpu.wait_dma2 semaphore(%arg8 : memref<!tpu.dma_semaphore, #tpu.memory_space<semaphore_mem>>) src(%arg7 : memref<3x48x512xf32, #tpu.memory_space<vmem>>) dst(%dma_wait3A_650 : memref<3x48x512xf32, #tpu.memory_space<hbm>>)
    %dma_wait3A_651 = arith.constant 0 : i32
    %dma_wait3A_652 = arith.constant 0 : i32
    %dma_wait3A_653 = tpu.memref_slice %arg4[%add3A_507, %mul3A_372, %dma_wait3A_651, %dma_wait3A_652] : memref<32x48x48x512xf32, #tpu.memory_space<hbm>> -> memref<1x3x48x512xf32, #tpu.memory_space<hbm>>
    %dma_wait3A_654 = tpu.memref_squeeze %dma_wait3A_653 : memref<1x3x48x512xf32, #tpu.memory_space<hbm>> -> memref<3x48x512xf32, #tpu.memory_space<hbm>>
    %dma_wait3A_655 = arith.constant 0 : i32
    %dma_wait3A_656 = arith.constant 0 : i32
    %dma_wait3A_657 = tpu.memref_slice %arg4[%add3A_507, %mul3A_372, %dma_wait3A_655, %dma_wait3A_656] : memref<32x48x48x512xf32, #tpu.memory_space<hbm>> -> memref<1x3x48x512xf32, #tpu.memory_space<hbm>>
    %dma_wait3A_658 = tpu.memref_squeeze %dma_wait3A_657 : memref<1x3x48x512xf32, #tpu.memory_space<hbm>> -> memref<3x48x512xf32, #tpu.memory_space<hbm>>
    tpu.wait_dma2 semaphore(%arg8 : memref<!tpu.dma_semaphore, #tpu.memory_space<semaphore_mem>>) src(%arg7 : memref<3x48x512xf32, #tpu.memory_space<vmem>>) dst(%dma_wait3A_658 : memref<3x48x512xf32, #tpu.memory_space<hbm>>)
    %dma_wait3A_659 = arith.constant 0 : i32
    %dma_wait3A_660 = arith.constant 0 : i32
    %dma_wait3A_661 = tpu.memref_slice %arg4[%add3A_519, %mul3A_372, %dma_wait3A_659, %dma_wait3A_660] : memref<32x48x48x512xf32, #tpu.memory_space<hbm>> -> memref<1x3x48x512xf32, #tpu.memory_space<hbm>>
    %dma_wait3A_662 = tpu.memref_squeeze %dma_wait3A_661 : memref<1x3x48x512xf32, #tpu.memory_space<hbm>> -> memref<3x48x512xf32, #tpu.memory_space<hbm>>
    %dma_wait3A_663 = arith.constant 0 : i32
    %dma_wait3A_664 = arith.constant 0 : i32
    %dma_wait3A_665 = tpu.memref_slice %arg4[%add3A_519, %mul3A_372, %dma_wait3A_663, %dma_wait3A_664] : memref<32x48x48x512xf32, #tpu.memory_space<hbm>> -> memref<1x3x48x512xf32, #tpu.memory_space<hbm>>
    %dma_wait3A_666 = tpu.memref_squeeze %dma_wait3A_665 : memref<1x3x48x512xf32, #tpu.memory_space<hbm>> -> memref<3x48x512xf32, #tpu.memory_space<hbm>>
    tpu.wait_dma2 semaphore(%arg8 : memref<!tpu.dma_semaphore, #tpu.memory_space<semaphore_mem>>) src(%arg7 : memref<3x48x512xf32, #tpu.memory_space<vmem>>) dst(%dma_wait3A_666 : memref<3x48x512xf32, #tpu.memory_space<hbm>>)
    %dma_wait3A_667 = arith.constant 0 : i32
    %dma_wait3A_668 = arith.constant 0 : i32
    %dma_wait3A_669 = tpu.memref_slice %arg4[%add3A_531, %mul3A_372, %dma_wait3A_667, %dma_wait3A_668] : memref<32x48x48x512xf32, #tpu.memory_space<hbm>> -> memref<1x3x48x512xf32, #tpu.memory_space<hbm>>
    %dma_wait3A_670 = tpu.memref_squeeze %dma_wait3A_669 : memref<1x3x48x512xf32, #tpu.memory_space<hbm>> -> memref<3x48x512xf32, #tpu.memory_space<hbm>>
    %dma_wait3A_671 = arith.constant 0 : i32
    %dma_wait3A_672 = arith.constant 0 : i32
    %dma_wait3A_673 = tpu.memref_slice %arg4[%add3A_531, %mul3A_372, %dma_wait3A_671, %dma_wait3A_672] : memref<32x48x48x512xf32, #tpu.memory_space<hbm>> -> memref<1x3x48x512xf32, #tpu.memory_space<hbm>>
    %dma_wait3A_674 = tpu.memref_squeeze %dma_wait3A_673 : memref<1x3x48x512xf32, #tpu.memory_space<hbm>> -> memref<3x48x512xf32, #tpu.memory_space<hbm>>
    tpu.wait_dma2 semaphore(%arg8 : memref<!tpu.dma_semaphore, #tpu.memory_space<semaphore_mem>>) src(%arg7 : memref<3x48x512xf32, #tpu.memory_space<vmem>>) dst(%dma_wait3A_674 : memref<3x48x512xf32, #tpu.memory_space<hbm>>)
    %dma_wait3A_675 = arith.constant 0 : i32
    %dma_wait3A_676 = arith.constant 0 : i32
    %dma_wait3A_677 = tpu.memref_slice %arg4[%add3A_543, %mul3A_372, %dma_wait3A_675, %dma_wait3A_676] : memref<32x48x48x512xf32, #tpu.memory_space<hbm>> -> memref<1x3x48x512xf32, #tpu.memory_space<hbm>>
    %dma_wait3A_678 = tpu.memref_squeeze %dma_wait3A_677 : memref<1x3x48x512xf32, #tpu.memory_space<hbm>> -> memref<3x48x512xf32, #tpu.memory_space<hbm>>
    %dma_wait3A_679 = arith.constant 0 : i32
    %dma_wait3A_680 = arith.constant 0 : i32
    %dma_wait3A_681 = tpu.memref_slice %arg4[%add3A_543, %mul3A_372, %dma_wait3A_679, %dma_wait3A_680] : memref<32x48x48x512xf32, #tpu.memory_space<hbm>> -> memref<1x3x48x512xf32, #tpu.memory_space<hbm>>
    %dma_wait3A_682 = tpu.memref_squeeze %dma_wait3A_681 : memref<1x3x48x512xf32, #tpu.memory_space<hbm>> -> memref<3x48x512xf32, #tpu.memory_space<hbm>>
    tpu.wait_dma2 semaphore(%arg8 : memref<!tpu.dma_semaphore, #tpu.memory_space<semaphore_mem>>) src(%arg7 : memref<3x48x512xf32, #tpu.memory_space<vmem>>) dst(%dma_wait3A_682 : memref<3x48x512xf32, #tpu.memory_space<hbm>>)
    %dma_wait3A_683 = arith.constant 0 : i32
    %dma_wait3A_684 = arith.constant 0 : i32
    %dma_wait3A_685 = tpu.memref_slice %arg4[%add3A_555, %mul3A_372, %dma_wait3A_683, %dma_wait3A_684] : memref<32x48x48x512xf32, #tpu.memory_space<hbm>> -> memref<1x3x48x512xf32, #tpu.memory_space<hbm>>
    %dma_wait3A_686 = tpu.memref_squeeze %dma_wait3A_685 : memref<1x3x48x512xf32, #tpu.memory_space<hbm>> -> memref<3x48x512xf32, #tpu.memory_space<hbm>>
    %dma_wait3A_687 = arith.constant 0 : i32
    %dma_wait3A_688 = arith.constant 0 : i32
    %dma_wait3A_689 = tpu.memref_slice %arg4[%add3A_555, %mul3A_372, %dma_wait3A_687, %dma_wait3A_688] : memref<32x48x48x512xf32, #tpu.memory_space<hbm>> -> memref<1x3x48x512xf32, #tpu.memory_space<hbm>>
    %dma_wait3A_690 = tpu.memref_squeeze %dma_wait3A_689 : memref<1x3x48x512xf32, #tpu.memory_space<hbm>> -> memref<3x48x512xf32, #tpu.memory_space<hbm>>
    tpu.wait_dma2 semaphore(%arg8 : memref<!tpu.dma_semaphore, #tpu.memory_space<semaphore_mem>>) src(%arg7 : memref<3x48x512xf32, #tpu.memory_space<vmem>>) dst(%dma_wait3A_690 : memref<3x48x512xf32, #tpu.memory_space<hbm>>)
    return
  }
}

</mosaic_0001>

<sc_bundles>
// kernel: kernel.3.cloned.1.call-start
scs
__scs_entry_jumppad:
0x0: {  	(pc) =	sbr.rel $0x88, $3  }
0x1: {  	(tag) =	ssettag $0x0;
	lr =	simm.s32 $0x1  }
0x2: {  	[smem:$0x3F9F] =	sst lr;
	_ =	strace $0xD0000000  }
0x3: {  	_ = 	snop  }
0x4: {  	_ = 	snop  }
0x5: {  	_ = 	snop  }
0x6: {  	_ = 	snop  }
0x7: {  	_ = 	snop  }
__scs_overlays_trampoline_lowered:
0x8: {  	[smem:$0x3FAE] =	sst s0  }
0x9: {  	[smem:$0x3FAF] =	sst s1  }
0xa: {  	[smem:$0x3FB0] =	sst s2  }
0xb: {  	[smem:$0x3FB1] =	sst s3  }
0xc: {  	[smem:$0x3FB2] =	sst s4  }
0xd: {  	[smem:$0x3FB3] =	sst s5  }
0xe: {  	[smem:$0x3FB4] =	sst s6  }
0xf: {  	[smem:$0x3FB5] =	sst s7  }
0x10: {  	[smem:$0x3FB6] =	sst s8  }
0x11: {  	[smem:$0x3FB7] =	sst s9;
	s0 =	simm.s32 @!p0 $0x0  }
0x12: {  	s1 =	sld [smem:$0x3F9D];
	s0 =	simm.s32 @p0 $0x1  }
0x13: {  	[smem:$0x3FB8] =	sst s0;
	s0 =	simm.s32 @!p1 $0x0  }
0x14: {  	s2 =	sld [smem:$0x3F9C];
	s0 =	simm.s32 @p1 $0x1  }
0x15: {  	[smem:$0x3FB9] =	sst s0;
	s0 =	simm.s32 @!p2 $0x0  }
0x16: {  	s3 =	sld [smem:$0x3FDB];
	s0 =	simm.s32 @p2 $0x1  }
0x17: {  	s4 =	simm.s32 $0x1BF5;
	[smem:$0x3FBB] =	sst s0  }
0x18: {  	s0 =	sld [smem:$0x3F9E];
	_ =	swait.ge [sflag:s4], $0x0  }
0x19: {  	s7 =	sld [smem:$0x3F9F]  }
0x1a: {  	s8 =	sadd.s32 $0xFFFFE003, lr  }
0x1b: {  	s9 =	sadd.s32 $0xFFFFFEF7, lr;
	s5 =	simm.s32 $0xFFFFFFFF;
	p2 =	slt.u32 s8, $0xFFFFF086  }
0x1c: {  	p1 =	slt.u32 s9, $0xF7A;
	s5 =	simm.s32 @!p2 $0x0  }
0x1d: {  	s5 =	simm.s32 @p1 $0x1;
	p0 =	seq.s32 s7, s2  }
0x1e: {  	s7 =	smul.u32 @!p0 $0xF7A, s2;
	p2 =	seq.s32 @!p0 s5, $0x0  }
0x1f: {  	s9 =	smul.u32 $0xF7A, s1;
	s8 =	simm.s32 @!p0 $0x1BF5;
	p2 =	por !p2, p0  }
0x20: {  	[sflag:s8] =	ssyncset.s32 @!p0 $0xFFFFF086;
	s6 =	sadd.s32 @!p0 s3, s7;
	s7 =	simm.s32 @!p0 $0x108  }
0x21: {  	s3 =	sadd.s32 s3, s9;
	s6 =	sadd.s32 @!p0 $0x88, s6;
	s7 =	simm.s32 @p2 $0x1082  }
0x22: {  	[simem:s7], [sflag:s8] =	dma.local @!p0 [hbm:s6], $0xF7A  }
0x23: {  	s9 =	sor.u32 $0xD0000000, s2;
	s6 =	simm.s32 $0x108;
	_ =	swait.ge @!p0 [sflag:s8], $0x0  }
0x24: {  	s3 =	sadd.s32 $0x88, s3;
	s6 =	simm.s32 @!p1 $0x1082;
	[sflag:s4] =	ssyncset.s32 $0xFFFFF086  }
0x25: {  	[simem:s6], [sflag:s4] =	dma.local [hbm:s3], $0xF7A  }
0x26: {  	[smem:$0x3F9F] =	sst s1;
	(tag) =	ssettag s2;
	_ =	strace s9  }
0x27: {  	s1 =	sld [smem:$0x3FAF]  }
0x28: {  	s2 =	sld [smem:$0x3FB0]  }
0x29: {  	s4 =	sld [smem:$0x3FB2]  }
0x2a: {  	p0 =	seq.s32 s5, $0x0;
	s5 =	sld [smem:$0x3FB3]  }
0x2b: {  	s6 =	sld [smem:$0x3FB4]  }
0x2c: {  	s7 =	sld [smem:$0x3FB5]  }
0x2d: {  	s3 =	simm.s32 $0x108;
	s8 =	sld [smem:$0x3FB6]  }
0x2e: {  	s3 =	simm.s32 @!p0 $0x1082;
	s9 =	sld [smem:$0x3FB7]  }
0x2f: {  	lr =	sadd.s32 s0, s3;
	s0 =	sld [smem:$0x3FAE]  }
0x30: {  	s3 =	sld [smem:$0x3FB1]  }
0x31: {  	[smem:$0x3FBA] =	sst s10  }
0x32: {  	s10 =	sld [smem:$0x3FB8];
	_ =	sdelay $0x3  }
0x33: {  	p0 =	seq.s32 s10, $0x1;
	s10 =	sld [smem:$0x3FBA];
	_ =	sdelay $0x3  }
0x34: {  	[smem:$0x3FBA] =	sst s10  }
0x35: {  	s10 =	sld [smem:$0x3FB9];
	_ =	sdelay $0x3  }
0x36: {  	p1 =	seq.s32 s10, $0x1;
	s10 =	sld [smem:$0x3FBA];
	_ =	sdelay $0x3  }
0x37: {  	[smem:$0x3FBA] =	sst s10  }
0x38: {  	s10 =	sld [smem:$0x3FBB]  }
0x39: {  	_ = 	snop;
	(pc) =	sbr.ind lr, $3  }
0x3a: {  	_ = 	snop  }
0x3b: {  	_ = 	snop  }
0x3c: {  	p2 =	seq.s32 s10, $0x1;
	s10 =	sld [smem:$0x3FBA]  }
0x3d: {  	_ =	shalt  }
0x3e: {  	_ =	shalt  }
0x3f: {  	_ =	shalt  }
0x40: {  	_ =	shalt  }
0x41: {  	_ =	shalt  }
0x42: {  	_ =	shalt  }
0x43: {  	_ =	shalt  }
0x44: {  	_ =	shalt  }
0x45: {  	_ =	shalt  }
0x46: {  	_ =	shalt  }
0x47: {  	_ =	shalt  }
0x48: {  	_ =	shalt  }
0x49: {  	_ =	shalt  }
0x4a: {  	_ =	shalt  }
0x4b: {  	_ =	shalt  }
0x4c: {  	_ =	shalt  }
0x4d: {  	_ =	shalt  }
0x4e: {  	_ =	shalt  }
0x4f: {  	_ =	shalt  }
0x50: {  	_ =	shalt  }
0x51: {  	_ =	shalt  }
0x52: {  	_ =	shalt  }
0x53: {  	_ =	shalt  }
0x54: {  	_ =	shalt  }
0x55: {  	_ =	shalt  }
0x56: {  	_ =	shalt  }
0x57: {  	_ =	shalt  }
0x58: {  	_ =	shalt  }
0x59: {  	_ =	shalt  }
0x5a: {  	_ =	shalt  }
0x5b: {  	_ =	shalt  }
0x5c: {  	_ =	shalt  }
0x5d: {  	_ =	shalt  }
0x5e: {  	_ =	shalt  }
0x5f: {  	_ =	shalt  }
0x60: {  	_ =	shalt  }
0x61: {  	_ =	shalt  }
0x62: {  	_ =	shalt  }
0x63: {  	_ =	shalt  }
0x64: {  	_ =	shalt  }
0x65: {  	_ =	shalt  }
0x66: {  	_ =	shalt  }
0x67: {  	_ =	shalt  }
0x68: {  	_ =	shalt  }
0x69: {  	_ =	shalt  }
0x6a: {  	_ =	shalt  }
0x6b: {  	_ =	shalt  }
0x6c: {  	_ =	shalt  }
0x6d: {  	_ =	shalt  }
0x6e: {  	_ =	shalt  }
0x6f: {  	_ =	shalt  }
0x70: {  	_ =	shalt  }
0x71: {  	_ =	shalt  }
0x72: {  	_ =	shalt  }
0x73: {  	_ =	shalt  }
0x74: {  	_ =	shalt  }
0x75: {  	_ =	shalt  }
0x76: {  	_ =	shalt  }
0x77: {  	_ =	shalt  }
0x78: {  	_ =	shalt  }
0x79: {  	_ =	shalt  }
0x7a: {  	_ =	shalt  }
0x7b: {  	_ =	shalt  }
0x7c: {  	_ =	shalt  }
0x7d: {  	_ =	shalt  }
0x7e: {  	_ =	shalt  }
0x7f: {  	_ =	shalt  }
0x80: {  	_ =	shalt  }
0x81: {  	_ =	shalt  }
0x82: {  	_ =	shalt  }
0x83: {  	_ =	shalt  }
0x84: {  	_ =	shalt  }
0x85: {  	_ =	shalt  }
0x86: {  	_ =	shalt  }
0x87: {  	_ =	shalt  }
.Lfunc_end0:
.L_simem_size_0:
called_computation_lowered:
.L_overlay_start_0:
0x88: {  	s2 =	sld [smem:$0x3FD9]  }
0x89: {  	s3 =	sld [smem:$0x3FFE];
	_ =	sdelay $0x1  }
0x8a: {  	s1 =	srdreg.scid  }
0x8b: {  	s0 =	sand.u32 $0x1, s1  }
0x8c: {  	s18 =	sshll.u32 s0, $0xA;
	s2 =	sadd.s32 s3, s2  }
0x8d: {  	s2 =	sadd.s32 s2, s18  }
0x8e: {  	[smem:$0x3FC6] =	sst s2  }
0x8f: {  	_ = 	snop  }
0x90: {  	s2 =	sld [smem:$0x3FC9]  }
0x91: {  	s19 =	sld [smem:$0x3FC8]  }
0x92: {  	s4 =	sld [smem:$0x3FD0];
	(tm) =	ssettm $0x1  }
0x93: {  	s5 =	sld [smem:$0x3FFB];
	_ =	sdelay $0x3  }
0x94: {  	_ =	strace s5  }
0x95: {  	s5 =	sld [smem:$0x3FFC];
	_ =	sdelay $0x3  }
0x96: {  	_ =	strace s5  }
0x97: {  	s5 =	sld [smem:$0x3FFD];
	_ =	sdelay $0x3  }
0x98: {  	_ =	strace s5  }
0x99: {  	_ =	strace $0x8FFFFFFF  }
0x9a: {  	s20 =	sld [smem:$0x3FDB];
	_ =	sdelay $0x1  }
0x9b: {  	s6 =	simm.s32 $_scs_section_size  }
0x9c: {  	s7 =	simm.s32 $_size__tile_overlayer_lowered;
	s8 =	simm.s32 $_tile_overlayer_lowered  }
0x9d: {  	s23 =	simm.s32 $0x1BFF;
	s22 =	sshll.u32 s8, $0x1;
	s5 =	sadd.s32 s6, s20  }
0x9e: {  	s9 =	simm.s32 $0x0;
	s21 =	sshll.u32 s7, $0x1;
	s7 =	sadd.s32 s22, s5  }
0x9f: {  	[timem:s9], [sflag:s23] =	dma.local [hbm:s7], s21  }
0xa0: {  	_ =	swait.ge [sflag:s23], s21  }
0xa1: {  	s6 =	ssub.s32 $0x0, s21;
	[sflag:s23] =	ssyncset.done $0x0  }
0xa2: {  	[sflag:s23] =	ssyncadd.s32 s6;
	_ =	sdelay $0x1  }
0xa3: {  	s24 =	simm.s32 $0x1B8B  }
0xa4: {  	_ =	swait.ge [sflag:s24], $0x1  }
0xa5: {  	[sflag:s24] =	ssyncset.done $0x0  }
0xa6: {  	s25 =	simm.s32 $0x1B8E;
	[sflag:s24] =	ssyncadd.s32 $0xFFFFFFFF  }
0xa7: {  	s26 =	simm.s32 $execute0_lowered;
	[smem:$0x3FD2] =	sst s25  }
0xa8: {  	s6 =	sshll.u32 s26, $0x1;
	_ =	strace $0x80000046;
	[dreg:$0x1] =	wrdreg $0xFFFFFFFF  }
0xa9: {  	s28 =	simm.s32 $_size_execute0_lowered;
	s5 =	sadd.s32 s5, s6;
	[dreg:$0x0] =	wrdreg $0x0  }
0xaa: {  	s6 =	sshll.u32 s28, $0x1;
	[dreg:$0x2] =	wrdreg s5  }
0xab: {  	[dreg:$0x3] =	wrdreg s6  }
0xac: {  	[dreg:$0x4] =	wrdreg $0xC0  }
0xad: {  	_ =	task [dreg:s9], $0x5FFFF  }
0xae: {  	[dreg:$0x1] =	wrdreg $0xFFFFFFFF  }
0xaf: {  	[dreg:$0x0] =	wrdreg $0x60  }
0xb0: {  	[dreg:$0x2] =	wrdreg s19  }
0xb1: {  	[dreg:$0x3] =	wrdreg s2  }
0xb2: {  	[dreg:$0x4] =	wrdreg s4  }
0xb3: {  	[dreg:$0x5] =	wrdreg $0x9  }
0xb4: {  	_ =	task.clear_ibuf [dreg:s9], $0x6FFFF;
	_ =	strace $0x90000046  }
0xb5: {  	s29 =	simm.s32 $0x9;
	_ =	strace $0x80000048  }
0xb6: {  	_ =	swait.ge [sflag:s29], $0x1  }
0xb7: {  	[sflag:s29] =	ssyncadd.s32 $0xFFFFFFFF  }
0xb8: {  	_ =	strace $0x90000048  }
0xb9: {  	_ =	sfence  }
0xba: {  	s30 =	sld [smem:$0x0];
	_ =	sdelay $0x2  }
0xbb: {  	s31 =	sshll.u32 s1, $0xD;
	s1 =	sshrl.u32 s1, $0x2  }
0xbc: {  	s3 =	sand.u32 $0x4000, s31;
	s1 =	sadd.s32 s1, s30  }
0xbd: {  	s0 =	sor.u32 s3, s0;
	s1 =	sshll.u32 s1, $0x11  }
0xbe: {  	s0 =	sor.u32 s1, s0  }
0xbf: {  	s0 =	sadd.s32 $0x8F2B, s0  }
0xc0: {  	[sflag:s0] =	ssyncadd.remote.s32 $0x1  }
0xc1: {  	_ =	sfence.sel $0xFFFF  }
0xc2: {  	[dreg:$0x0] =	wrdreg $0xFFFFFFFF;
	(pc) =	sbr.abs _section_cstart, $3  }
0xc3: {  	[dreg:$0x1] =	wrdreg $0xFFFFFFFF  }
0xc4: {  	_ =	task.clear_ibuf [dreg:s9], $0x2FFFF;
	_ =	strace $0x9FFFFFFF  }
0xc5: {  	(tm) =	ssettm $0x7FFFFFFF  }
tec
execute0_lowered:
.L_overlay_start_1:
0x0: {  	(tag) =	ssettag $0x1  }
0x1: {  	s0 =	srdreg.scid  }
0x2: {  	s3 =	stileid.u32;
	s2 =	sand.u32 $0x1, s0  }
0x3: {  	s0 =	sor.u32 s2, s3  }
0x4: {  	p1 =	seq.s32 s2, $0x1;
	p0 =	seq.s32 s0, $0x0  }
0x5: {  	p0 =	por !p0, !p1  }
0x6: {  	s1 =	simm.s32 $0x1;
	p0 =	por !p0, !p0  }
0x7: {  	s4 =	simm.s32 $0x0;
	s1 =	simm.s32 @!p0 $0x0  }
0x8: {  	s10 =	ssub.s32 $0x2, s2;
	s2 =	smul.u32 $0x1200000, s2;
	s3 =	ssub.s32 s3, s1  }
0x9: {  	[smem:$0x7FF] =	sst s4;
	s5 =	smul.u32 $0x300, s3  }
0xa: {  	s30 =	simm.s32 $0x2;
	s0 =	rddreg [dreg:$0x2];
	s6 =	smul.u32 $0x180, s3  }
0xb: {  	_ =	strace $0x80000047;
	s7 =	sshrl.u32 s10, $0x1;
	s8 =	smul.u32 $0x3, s3  }
0xc: {  	s1 =	ssub.s32 s10, s7;
	s3 =	smul.u32 $0x12000, s3;
	s5 =	sand.u32 $0xFFFFF800, s5  }
0xd: {  	s6 =	sand.u32 $0x380, s6;
	s11 =	sadd.s32 $0x1, s8;
	s13 =	sadd.s32 $0x2, s8  }
0xe: {  	s2 =	sadd.s32 s2, s3;
	s26 =	sor.u32 s6, s5;
	s12 =	sshll.u32 s11, $0x8  }
0xf: {  	s5 =	sshll.u32 s11, $0x7;
	s8 =	sshll.u32 s13, $0x8;
	s7 =	sshll.u32 s13, $0x7  }
0x10: {  	s15 =	sshrl.u32 s2, $0x3;
	s17 =	sadd.s32 $0x120000, s2;
	s18 =	sadd.s32 $0x240000, s2  }
0x11: {  	s9 =	sadd.s32 $0x360000, s2;
	s19 =	sadd.s32 $0x480000, s2;
	s20 =	sadd.s32 $0x5A0000, s2  }
0x12: {  	s21 =	sadd.s32 $0x7E0000, s2;
	s22 =	sadd.s32 $0x900000, s2;
	s23 =	sadd.s32 $0xB40000, s2  }
0x13: {  	s24 =	sadd.s32 $0xC60000, s2;
	s25 =	sadd.s32 $0xEA0000, s2;
	s31 =	sadd.s32 $0xFC0000, s2  }
0x14: {  	s6 =	sand.u32 $0xFFFFF800, s12;
	s5 =	sand.u32 $0x380, s5;
	s14 =	sand.u32 $0xFFFFF800, s8  }
0x15: {  	s7 =	sand.u32 $0x380, s7;
	s16 =	sadd.s32 s0, s15;
	s3 =	sshrl.u32 s17, $0x3  }
0x16: {  	s11 =	sshrl.u32 s9, $0x3;
	s12 =	sadd.s32 $0x6C0000, s2;
	s15 =	sadd.s32 $0xA20000, s2  }
0x17: {  	s9 =	smov.u32 s26;
	s26 =	sadd.s32 $0x3000, s26;
	s6 =	sor.u32 s5, s6  }
0x18: {  	s7 =	sor.u32 s7, s14;
	[dreg:$0x4] =	wrdreg s16;
	s5 =	sshrl.u32 s18, $0x3  }
0x19: {  	s3 =	sadd.s32 s0, s3;
	s11 =	sadd.s32 s0, s11;
	s14 =	sshrl.u32 s12, $0x3  }
0x1a: {  	s17 =	sshrl.u32 s15, $0x3;
	s18 =	sadd.s32 $0xD80000, s2;
	s2 =	sadd.s32 $0x10E0000, s2  }
0x1b: {  	[dreg:$0x5] =	wrdreg s3;
	s10 =	sadd.s32 s0, s5;
	s3 =	sshrl.u32 s19, $0x3  }
0x1c: {  	s5 =	sshrl.u32 s20, $0x3;
	s14 =	sadd.s32 s0, s14;
	s17 =	sadd.s32 s0, s17  }
0x1d: {  	s20 =	sshrl.u32 s18, $0x3;
	s2 =	sshrl.u32 s2, $0x3;
	s28 =	sadd.s32 $0x3000, s6  }
0x1e: {  	s29 =	sadd.s32 $0x3000, s7;
	s12 =	sadd.s32 s0, s3;
	s13 =	sadd.s32 s0, s5  }
0x1f: {  	s3 =	sshrl.u32 s21, $0x3;
	s5 =	sshrl.u32 s22, $0x3;
	s20 =	sadd.s32 s0, s20  }
0x20: {  	s15 =	sadd.s32 s0, s3;
	s16 =	sadd.s32 s0, s5;
	s3 =	sshrl.u32 s23, $0x3  }
0x21: {  	s5 =	sshrl.u32 s24, $0x3;
	s23 =	sadd.s32 s0, s2;
	s24 =	simm.s32 $0x1  }
0x22: {  	s2 =	simm.s32 $0x6000;
	s18 =	sadd.s32 s0, s3;
	s19 =	sadd.s32 s0, s5  }
0x23: {  	s3 =	sshrl.u32 s25, $0x3;
	s5 =	sshrl.u32 s31, $0x3;
	s25 =	smax.u32 s1, $0x1  }
0x24: {  	s21 =	sadd.s32 s0, s3;
	s22 =	sadd.s32 s0, s5;
	s0 =	simm.s32 $0x0  }
.LBB2_1:
0x25: {  	s1 =	rddreg [dreg:$0x0]  }
0x26: {  	[tilespmem:s4], [sflag:$0x2] =	stream.linear.gather [hbm4b:s1+s4], $0x3000, $0x38;
	[tilespmem:$0x18000] =	vst v63  }
0x27: {  	_ =	swait.ge [sflag:s30], $0x3000  }
0x28: {  	[sflag:s30] =	ssyncset.done $0x0  }
0x29: {  	[sflag:s30] =	ssyncadd.s32 $0xFFFFD000  }
0x2a: {  	s3 =	simm.s32 $0x3000;
	s31 =	rddreg [dreg:$0x1]  }
0x2b: {  	[tilespmem:s3], [sflag:$0x2] =	stream.linear.gather [hbm4b:s31+s4], $0x3000, $0x38;
	[tilespmem:$0x18000] =	vst v63  }
0x2c: {  	_ =	swait.ge [sflag:s30], $0x3000  }
0x2d: {  	[sflag:s30] =	ssyncset.done $0x0  }
0x2e: {  	[sflag:s30] =	ssyncadd.s32 $0xFFFFD000  }
0x2f: {  	v0 =	vld [tilespmem:s9+$0x3000]  }
0x30: {  	v1 =	vld [tilespmem:s26+$0x10]  }
0x31: {  	v2 =	vld [tilespmem:s26+$0x20]  }
0x32: {  	v3 =	vld [tilespmem:s26+$0x30]  }
0x33: {  	v4 =	vld [tilespmem:s26+$0x40]  }
0x34: {  	v5 =	vld [tilespmem:s26+$0x50]  }
0x35: {  	v6 =	vld [tilespmem:s26+$0x60]  }
0x36: {  	v7 =	vld [tilespmem:s26+$0x70]  }
0x37: {  	v8 =	vld [tilespmem:s26+$0x400]  }
0x38: {  	v9 =	vld [tilespmem:s26+$0x410]  }
0x39: {  	v10 =	vld [tilespmem:s26+$0x420]  }
0x3a: {  	v11 =	vld [tilespmem:s26+$0x430]  }
0x3b: {  	v12 =	vld [tilespmem:s26+$0x440]  }
0x3c: {  	v13 =	vld [tilespmem:s26+$0x450]  }
0x3d: {  	v14 =	vld [tilespmem:s26+$0x460]  }
0x3e: {  	v15 =	vld [tilespmem:s26+$0x470]  }
0x3f: {  	v16 =	vld [tilespmem:s6+$0x3000]  }
0x40: {  	v17 =	vld [tilespmem:s28+$0x10]  }
0x41: {  	v18 =	vld [tilespmem:s28+$0x20]  }
0x42: {  	v19 =	vld [tilespmem:s28+$0x30]  }
0x43: {  	v20 =	vld [tilespmem:s28+$0x40]  }
0x44: {  	v21 =	vld [tilespmem:s28+$0x50]  }
0x45: {  	v22 =	vld [tilespmem:s28+$0x60]  }
0x46: {  	v23 =	vld [tilespmem:s28+$0x70]  }
0x47: {  	v24 =	vld [tilespmem:s28+$0x400]  }
0x48: {  	v25 =	vld [tilespmem:s28+$0x410]  }
0x49: {  	v26 =	vld [tilespmem:s28+$0x420]  }
0x4a: {  	v27 =	vld [tilespmem:s28+$0x430]  }
0x4b: {  	v28 =	vld [tilespmem:s28+$0x440]  }
0x4c: {  	v29 =	vld [tilespmem:s28+$0x450]  }
0x4d: {  	v30 =	vld [tilespmem:s28+$0x460]  }
0x4e: {  	v31 =	vld [tilespmem:s28+$0x470]  }
0x4f: {  	v32 =	vld [tilespmem:s7+$0x3000]  }
0x50: {  	v33 =	vld [tilespmem:s29+$0x10]  }
0x51: {  	v34 =	vld [tilespmem:s29+$0x20]  }
0x52: {  	v35 =	vld [tilespmem:s29+$0x30]  }
0x53: {  	v36 =	vld [tilespmem:s29+$0x40]  }
0x54: {  	v37 =	vld [tilespmem:s29+$0x50]  }
0x55: {  	v38 =	vld [tilespmem:s29+$0x60]  }
0x56: {  	v39 =	vld [tilespmem:s29+$0x70]  }
0x57: {  	v40 =	vld [tilespmem:s29+$0x400]  }
0x58: {  	v41 =	vld [tilespmem:s29+$0x410]  }
0x59: {  	v42 =	vld [tilespmem:s29+$0x420]  }
0x5a: {  	v43 =	vld [tilespmem:s29+$0x430]  }
0x5b: {  	v44 =	vld [tilespmem:s29+$0x440]  }
0x5c: {  	v45 =	vld [tilespmem:s29+$0x450]  }
0x5d: {  	v46 =	vld [tilespmem:s29+$0x460]  }
0x5e: {  	s1 =	simm.s32 $0x0;
	s3 =	simm.s32 $0x0;
	v47 =	vld [tilespmem:s29+$0x470]  }
.LBB2_2:
0x5f: {  	s5 =	sshll.u32 s3, $0x8  }
0x60: {  	s31 =	sand.u32 $0x380, s1;
	s5 =	sand.u32 $0x3FFFF800, s5  }
0x61: {  	s5 =	sor.u32 s31, s5  }
0x62: {  	v48 =	vld [tilespmem:s5+$0x0]  }
0x63: {  	s8 =	sshll.u32 s3, $0xB  }
0x64: {  	s8 =	sshra.s32 s8, $0x2  }
0x65: {  	s8 =	sand.u32 $0xFFFFF000, s8  }
0x66: {  	s31 =	sor.u32 s31, s8  }
0x67: {  	[tilespmem:s31+$0x6000] =	vst v48  }
0x68: {  	[tilespmem:s31+$0xC000] =	vst v48  }
0x69: {  	[tilespmem:s31+$0x12000] =	vst v48  }
0x6a: {  	v48 =	vld [tilespmem:s5+$0x10];
	_ =	sdelay $0x4  }
0x6b: {  	[tilespmem:s31+$0x6010] =	vst v48  }
0x6c: {  	s8 =	sadd.s32 $0x12000, s31;
	[tilespmem:s31+$0xC010] =	vst v48  }
0x6d: {  	[tilespmem:s8+$0x10] =	vst v48  }
0x6e: {  	v48 =	vld [tilespmem:s5+$0x20];
	_ =	sdelay $0x4  }
0x6f: {  	[tilespmem:s31+$0x6020] =	vst v48  }
0x70: {  	[tilespmem:s31+$0xC020] =	vst v48  }
0x71: {  	[tilespmem:s8+$0x20] =	vst v48  }
0x72: {  	v48 =	vld [tilespmem:s5+$0x30];
	_ =	sdelay $0x4  }
0x73: {  	[tilespmem:s31+$0x6030] =	vst v48  }
0x74: {  	[tilespmem:s31+$0xC030] =	vst v48  }
0x75: {  	[tilespmem:s8+$0x30] =	vst v48  }
0x76: {  	v48 =	vld [tilespmem:s5+$0x40];
	_ =	sdelay $0x4  }
0x77: {  	[tilespmem:s31+$0x6040] =	vst v48  }
0x78: {  	[tilespmem:s31+$0xC040] =	vst v48  }
0x79: {  	[tilespmem:s8+$0x40] =	vst v48  }
0x7a: {  	v48 =	vld [tilespmem:s5+$0x50];
	_ =	sdelay $0x4  }
0x7b: {  	[tilespmem:s31+$0x6050] =	vst v48  }
0x7c: {  	[tilespmem:s31+$0xC050] =	vst v48  }
0x7d: {  	[tilespmem:s8+$0x50] =	vst v48  }
0x7e: {  	v48 =	vld [tilespmem:s5+$0x60];
	_ =	sdelay $0x4  }
0x7f: {  	[tilespmem:s31+$0x6060] =	vst v48  }
0x80: {  	[tilespmem:s31+$0xC060] =	vst v48  }
0x81: {  	[tilespmem:s8+$0x60] =	vst v48  }
0x82: {  	v48 =	vld [tilespmem:s5+$0x70];
	_ =	sdelay $0x4  }
0x83: {  	[tilespmem:s31+$0x6070] =	vst v48  }
0x84: {  	[tilespmem:s31+$0xC070] =	vst v48  }
0x85: {  	[tilespmem:s8+$0x70] =	vst v48  }
0x86: {  	v48 =	vld [tilespmem:s5+$0x400];
	_ =	sdelay $0x4  }
0x87: {  	[tilespmem:s31+$0x6400] =	vst v48  }
0x88: {  	[tilespmem:s31+$0xC400] =	vst v48  }
0x89: {  	[tilespmem:s31+$0x12400] =	vst v48  }
0x8a: {  	v48 =	vld [tilespmem:s5+$0x410];
	_ =	sdelay $0x4  }
0x8b: {  	[tilespmem:s31+$0x6410] =	vst v48  }
0x8c: {  	s8 =	sadd.s32 $0x12400, s31;
	[tilespmem:s31+$0xC410] =	vst v48  }
0x8d: {  	[tilespmem:s8+$0x10] =	vst v48  }
0x8e: {  	v48 =	vld [tilespmem:s5+$0x420];
	_ =	sdelay $0x4  }
0x8f: {  	[tilespmem:s31+$0x6420] =	vst v48  }
0x90: {  	[tilespmem:s31+$0xC420] =	vst v48  }
0x91: {  	[tilespmem:s8+$0x20] =	vst v48  }
0x92: {  	v48 =	vld [tilespmem:s5+$0x430];
	_ =	sdelay $0x4  }
0x93: {  	[tilespmem:s31+$0x6430] =	vst v48  }
0x94: {  	[tilespmem:s31+$0xC430] =	vst v48  }
0x95: {  	[tilespmem:s8+$0x30] =	vst v48  }
0x96: {  	v48 =	vld [tilespmem:s5+$0x440];
	_ =	sdelay $0x4  }
0x97: {  	[tilespmem:s31+$0x6440] =	vst v48  }
0x98: {  	[tilespmem:s31+$0xC440] =	vst v48  }
0x99: {  	[tilespmem:s8+$0x40] =	vst v48  }
0x9a: {  	v48 =	vld [tilespmem:s5+$0x450];
	_ =	sdelay $0x4  }
0x9b: {  	[tilespmem:s31+$0x6450] =	vst v48  }
0x9c: {  	[tilespmem:s31+$0xC450] =	vst v48  }
0x9d: {  	[tilespmem:s8+$0x50] =	vst v48  }
0x9e: {  	v48 =	vld [tilespmem:s5+$0x460];
	_ =	sdelay $0x4  }
0x9f: {  	[tilespmem:s31+$0x6460] =	vst v48  }
0xa0: {  	[tilespmem:s31+$0xC460] =	vst v48  }
0xa1: {  	[tilespmem:s8+$0x60] =	vst v48  }
0xa2: {  	v48 =	vld [tilespmem:s5+$0x470];
	_ =	sdelay $0x4  }
0xa3: {  	[tilespmem:s31+$0x6470] =	vst v48  }
0xa4: {  	[tilespmem:s31+$0xC470] =	vst v48  }
0xa5: {  	[tilespmem:s8+$0x70] =	vst v48  }
0xa6: {  	[tilespmem:s31+$0x6800] =	vst v0  }
0xa7: {  	[tilespmem:s31+$0x6810] =	vst v1  }
0xa8: {  	[tilespmem:s31+$0x6820] =	vst v2  }
0xa9: {  	[tilespmem:s31+$0x6830] =	vst v3  }
0xaa: {  	[tilespmem:s31+$0x6840] =	vst v4  }
0xab: {  	[tilespmem:s31+$0x6850] =	vst v5  }
0xac: {  	[tilespmem:s31+$0x6860] =	vst v6  }
0xad: {  	[tilespmem:s31+$0x6870] =	vst v7  }
0xae: {  	[tilespmem:s31+$0x6C00] =	vst v8  }
0xaf: {  	[tilespmem:s31+$0x6C10] =	vst v9  }
0xb0: {  	[tilespmem:s31+$0x6C20] =	vst v10  }
0xb1: {  	[tilespmem:s31+$0x6C30] =	vst v11  }
0xb2: {  	[tilespmem:s31+$0x6C40] =	vst v12  }
0xb3: {  	[tilespmem:s31+$0x6C50] =	vst v13  }
0xb4: {  	[tilespmem:s31+$0x6C60] =	vst v14  }
0xb5: {  	[tilespmem:s31+$0x6C70] =	vst v15  }
0xb6: {  	[tilespmem:s31+$0xC800] =	vst v16  }
0xb7: {  	[tilespmem:s31+$0xC810] =	vst v17  }
0xb8: {  	[tilespmem:s31+$0xC820] =	vst v18  }
0xb9: {  	[tilespmem:s31+$0xC830] =	vst v19  }
0xba: {  	[tilespmem:s31+$0xC840] =	vst v20  }
0xbb: {  	[tilespmem:s31+$0xC850] =	vst v21  }
0xbc: {  	[tilespmem:s31+$0xC860] =	vst v22  }
0xbd: {  	[tilespmem:s31+$0xC870] =	vst v23  }
0xbe: {  	[tilespmem:s31+$0xCC00] =	vst v24  }
0xbf: {  	[tilespmem:s31+$0xCC10] =	vst v25  }
0xc0: {  	[tilespmem:s31+$0xCC20] =	vst v26  }
0xc1: {  	[tilespmem:s31+$0xCC30] =	vst v27  }
0xc2: {  	[tilespmem:s31+$0xCC40] =	vst v28  }
0xc3: {  	[tilespmem:s31+$0xCC50] =	vst v29  }
0xc4: {  	[tilespmem:s31+$0xCC60] =	vst v30  }
0xc5: {  	[tilespmem:s31+$0xCC70] =	vst v31  }
0xc6: {  	s8 =	sadd.s32 $0x12800, s31;
	[tilespmem:s31+$0x12800] =	vst v32  }
0xc7: {  	[tilespmem:s8+$0x10] =	vst v33  }
0xc8: {  	[tilespmem:s8+$0x20] =	vst v34  }
0xc9: {  	[tilespmem:s8+$0x30] =	vst v35  }
0xca: {  	[tilespmem:s8+$0x40] =	vst v36  }
0xcb: {  	[tilespmem:s8+$0x50] =	vst v37  }
0xcc: {  	[tilespmem:s8+$0x60] =	vst v38  }
0xcd: {  	[tilespmem:s8+$0x70] =	vst v39  }
0xce: {  	s8 =	sadd.s32 $0x12C00, s31;
	[tilespmem:s31+$0x12C00] =	vst v40  }
0xcf: {  	[tilespmem:s8+$0x40] =	vst v44  }
0xd0: {  	p0 =	sne.s32 s3, $0x2F;
	[tilespmem:s8+$0x50] =	vst v45  }
.Ltmp0:
0xd1: {  	[tilespmem:s8+$0x60] =	vst v46;
	(pc) =	sbr.rel @p0 .LBB2_2-.Ltmp0, $4  }
0xd2: {  	[tilespmem:s8+$0x70] =	vst v47  }
0xd3: {  	[tilespmem:s8+$0x10] =	vst v41  }
0xd4: {  	[tilespmem:s8+$0x20] =	vst v42  }
0xd5: {  	s1 =	sadd.s32 $0x80, s1;
	s3 =	sadd.s32 $0x1, s3;
	[tilespmem:s8+$0x30] =	vst v43  }
0xd6: {  	s1 =	rddreg [dreg:$0x4]  }
0xd7: {  	[hbm4b:s1+s4] =	stream.linear.scatter [tilespmem:s2], [sflag:$0x1], $0x12000, $0x38;
	[tilespmem:$0x18000] =	vst v63  }
0xd8: {  	s31 =	rddreg [dreg:$0x5]  }
0xd9: {  	[hbm4b:s31+s4] =	stream.linear.scatter [tilespmem:s2], [sflag:$0x1], $0x12000, $0x38;
	[tilespmem:$0x18000] =	vst v63  }
0xda: {  	_ = 	snop  }
0xdb: {  	[hbm4b:s10+s4] =	stream.linear.scatter [tilespmem:s2], [sflag:$0x1], $0x12000, $0x38;
	[tilespmem:$0x18000] =	vst v63  }
0xdc: {  	_ = 	snop  }
0xdd: {  	[hbm4b:s11+s4] =	stream.linear.scatter [tilespmem:s2], [sflag:$0x1], $0x12000, $0x38;
	[tilespmem:$0x18000] =	vst v63  }
0xde: {  	_ = 	snop  }
0xdf: {  	[hbm4b:s12+s4] =	stream.linear.scatter [tilespmem:s2], [sflag:$0x1], $0x12000, $0x38;
	[tilespmem:$0x18000] =	vst v63  }
0xe0: {  	_ = 	snop  }
0xe1: {  	[hbm4b:s13+s4] =	stream.linear.scatter [tilespmem:s2], [sflag:$0x1], $0x12000, $0x38;
	[tilespmem:$0x18000] =	vst v63  }
0xe2: {  	_ = 	snop  }
0xe3: {  	[hbm4b:s14+s4] =	stream.linear.scatter [tilespmem:s2], [sflag:$0x1], $0x12000, $0x38;
	[tilespmem:$0x18000] =	vst v63  }
0xe4: {  	_ = 	snop  }
0xe5: {  	[hbm4b:s15+s4] =	stream.linear.scatter [tilespmem:s2], [sflag:$0x1], $0x12000, $0x38;
	[tilespmem:$0x18000] =	vst v63  }
0xe6: {  	_ = 	snop  }
0xe7: {  	[hbm4b:s16+s4] =	stream.linear.scatter [tilespmem:s2], [sflag:$0x1], $0x12000, $0x38;
	[tilespmem:$0x18000] =	vst v63  }
0xe8: {  	_ = 	snop  }
0xe9: {  	[hbm4b:s17+s4] =	stream.linear.scatter [tilespmem:s2], [sflag:$0x1], $0x12000, $0x38;
	[tilespmem:$0x18000] =	vst v63  }
0xea: {  	_ = 	snop  }
0xeb: {  	[hbm4b:s18+s4] =	stream.linear.scatter [tilespmem:s2], [sflag:$0x1], $0x12000, $0x38;
	[tilespmem:$0x18000] =	vst v63  }
0xec: {  	_ = 	snop  }
0xed: {  	[hbm4b:s19+s4] =	stream.linear.scatter [tilespmem:s2], [sflag:$0x1], $0x12000, $0x38;
	[tilespmem:$0x18000] =	vst v63  }
0xee: {  	_ = 	snop  }
0xef: {  	[hbm4b:s20+s4] =	stream.linear.scatter [tilespmem:s2], [sflag:$0x1], $0x12000, $0x38;
	[tilespmem:$0x18000] =	vst v63  }
0xf0: {  	_ = 	snop  }
0xf1: {  	[hbm4b:s21+s4] =	stream.linear.scatter [tilespmem:s2], [sflag:$0x1], $0x12000, $0x38;
	[tilespmem:$0x18000] =	vst v63  }
0xf2: {  	_ = 	snop  }
0xf3: {  	[hbm4b:s22+s4] =	stream.linear.scatter [tilespmem:s2], [sflag:$0x1], $0x12000, $0x38;
	[tilespmem:$0x18000] =	vst v63  }
0xf4: {  	_ = 	snop  }
0xf5: {  	[hbm4b:s23+s4] =	stream.linear.scatter [tilespmem:s2], [sflag:$0x1], $0x12000, $0x38;
	[tilespmem:$0x18000] =	vst v63  }
0xf6: {  	_ =	swait.ge [sflag:s24], $0x12000  }
0xf7: {  	[sflag:s24] =	ssyncset.done $0x0  }
0xf8: {  	[sflag:s24] =	ssyncadd.s32 $0xFFFEE000  }
0xf9: {  	_ =	swait.ge [sflag:s24], $0x12000  }
0xfa: {  	[sflag:s24] =	ssyncset.done $0x0  }
0xfb: {  	[sflag:s24] =	ssyncadd.s32 $0xFFFEE000  }
0xfc: {  	_ =	swait.ge [sflag:s24], $0x12000  }
0xfd: {  	[sflag:s24] =	ssyncset.done $0x0  }
0xfe: {  	[sflag:s24] =	ssyncadd.s32 $0xFFFEE000  }
0xff: {  	_ =	swait.ge [sflag:s24], $0x12000  }
0x100: {  	[sflag:s24] =	ssyncset.done $0x0  }
0x101: {  	[sflag:s24] =	ssyncadd.s32 $0xFFFEE000  }
0x102: {  	_ =	swait.ge [sflag:s24], $0x12000  }
0x103: {  	[sflag:s24] =	ssyncset.done $0x0  }
0x104: {  	[sflag:s24] =	ssyncadd.s32 $0xFFFEE000  }
0x105: {  	_ =	swait.ge [sflag:s24], $0x12000  }
0x106: {  	[sflag:s24] =	ssyncset.done $0x0  }
0x107: {  	[sflag:s24] =	ssyncadd.s32 $0xFFFEE000  }
0x108: {  	_ =	swait.ge [sflag:s24], $0x12000  }
0x109: {  	[sflag:s24] =	ssyncset.done $0x0  }
0x10a: {  	[sflag:s24] =	ssyncadd.s32 $0xFFFEE000  }
0x10b: {  	_ =	swait.ge [sflag:s24], $0x12000  }
0x10c: {  	[sflag:s24] =	ssyncset.done $0x0  }
0x10d: {  	[sflag:s24] =	ssyncadd.s32 $0xFFFEE000  }
0x10e: {  	_ =	swait.ge [sflag:s24], $0x12000  }
0x10f: {  	[sflag:s24] =	ssyncset.done $0x0  }
0x110: {  	[sflag:s24] =	ssyncadd.s32 $0xFFFEE000  }
0x111: {  	_ =	swait.ge [sflag:s24], $0x12000  }
0x112: {  	[sflag:s24] =	ssyncset.done $0x0  }
0x113: {  	[sflag:s24] =	ssyncadd.s32 $0xFFFEE000  }
0x114: {  	_ =	swait.ge [sflag:s24], $0x12000  }
0x115: {  	[sflag:s24] =	ssyncset.done $0x0  }
0x116: {  	[sflag:s24] =	ssyncadd.s32 $0xFFFEE000  }
0x117: {  	_ =	swait.ge [sflag:s24], $0x12000  }
0x118: {  	[sflag:s24] =	ssyncset.done $0x0  }
0x119: {  	[sflag:s24] =	ssyncadd.s32 $0xFFFEE000  }
0x11a: {  	_ =	swait.ge [sflag:s24], $0x12000  }
0x11b: {  	[sflag:s24] =	ssyncset.done $0x0  }
0x11c: {  	[sflag:s24] =	ssyncadd.s32 $0xFFFEE000  }
0x11d: {  	_ =	swait.ge [sflag:s24], $0x12000  }
0x11e: {  	[sflag:s24] =	ssyncset.done $0x0  }
0x11f: {  	s0 =	sadd.s32 $0x1, s0;
	[sflag:s24] =	ssyncadd.s32 $0xFFFEE000  }
0x120: {  	p0 =	sne.s32 s0, s25;
	_ =	swait.ge [sflag:s24], $0x12000  }
.Ltmp1:
0x121: {  	[sflag:s24] =	ssyncset.done $0x0;
	(pc) =	sbr.rel @p0 .LBB2_1-.Ltmp1, $4  }
0x122: {  	[sflag:s24] =	ssyncadd.s32 $0xFFFEE000  }
0x123: {  	_ =	swait.ge [sflag:s24], $0x12000  }
0x124: {  	[sflag:s24] =	ssyncset.done $0x0  }
0x125: {  	[sflag:s24] =	ssyncadd.s32 $0xFFFEE000  }
0x126: {  	_ =	sfence.sel $0x180000  }
0x127: {  	[bflag:$0x0] =	sbarrier.arrive $0xFFFF  }
0x128: {  	_ =	strace $0x90000047  }
0x129: {  	s0 =	stileid.u32;
	[bflag:$0x2] =	sbarrier.arrive $0xFFFF  }
0x12a: {  	p0 =	sne.s32 s0, $0x0;
	s0 =	rddreg [dreg:$0x3]  }
0x12b: {  	s0 =	sadd.s32 @!p0 $0x100000, s0  }
0x12c: {  	[sflag:s0] =	ssyncadd.tile.s32 @!p0 $0x1;
	_ =	shalt  }
.Lfunc_end2:
_tile_overlayer_lowered:
.L_overlay_start_2:
0x12d: {  	(tag) =	ssettag $0x2  }
0x12e: {  	s0 =	rddreg [dreg:$0x0];
	s2 =	stileid.u32  }
0x12f: {  	s1 =	rddreg [dreg:$0x1];
	p0 =	sne.s32 s2, $0x0  }
0x130: {  	s3 =	rddreg [dreg:$0x2];
	[bflag:$0x3] =	sbarrier.arrive $0xFFFF;
	s2 =	simm.s32 @!p0 $0x1C02  }
0x131: {  	[timem:s3], [sflag:s2] =	dma.local @!p0 [hbm:s0], s1  }
0x132: {  	s0 =	simm.s32 @!p0 $0x2  }
0x133: {  	_ =	swait.ge @!p0 [sflag:s0], s1  }
0x134: {  	s1 =	ssub.s32 @!p0 $0x0, s1;
	[sflag:s0] =	ssyncset.done @!p0 $0x0  }
0x135: {  	[sflag:s0] =	ssyncadd.s32 @!p0 s1  }
0x136: {  	[bflag:$0x3] =	sbarrier.arrive $0xFFFF  }
0x137: {  	_ =	shalt  }

</sc_bundles>
